<compile_context>
chip_gen: v7x
topology: tpu7x:2x2x1
jax: 0.10.2.dev20260603
libtpu: 0.0.44.dev20260713+nightly
codegen_flags: <defaults>
</compile_context>

<pallas_src>
import functools

import jax
import jax.numpy as jnp
from jax import lax
from jax.experimental import pallas as pl
from jax.experimental.pallas import tpu as pltpu
from jax.experimental.pallas import tpu_sc as plsc

_IN = 4096
_OUT = 4096
_K = 1228
_BO = 512

_SC_R = 512
_S = _OUT - _SC_R
_NW = 32
_R_PER = _SC_R // _NW
_G = 8
_NGRP = _R_PER // _G


def _select_body(x_ref, xm_ref):
    xv = x_ref[...]
    s = jnp.abs(xv)
    bits = jax.lax.bitcast_convert_type(s, jnp.int32)
    j16 = jax.lax.broadcasted_iota(jnp.int32, (16, 1), 0)

    t = jnp.int32(0)
    for p in range(8):
        shift = 28 - 4 * p
        cand = t + (j16 << shift)
        cnts = jnp.sum((bits >= cand).astype(jnp.int32), axis=1, keepdims=True)
        ok = (cnts >= _K) & (cand >= 0)
        d = jnp.sum(ok.astype(jnp.int32)) - 1
        t = t + (d << shift)

    gt = bits > t
    eq = bits == t
    r = _K - jnp.sum(gt.astype(jnp.int32))
    iota = jax.lax.broadcasted_iota(jnp.int32, (1, _IN), 1)
    eq_i = eq.astype(jnp.int32)

    pfx = jnp.int32(0)
    for p in range(3):
        shift = 8 - 4 * p
        cand = pfx + (j16 << shift)
        f = jnp.sum(jnp.where(iota < cand, eq_i, 0), axis=1, keepdims=True)
        d = jnp.maximum(jnp.sum((f < r).astype(jnp.int32)) - 1, 0)
        pfx = pfx + (d << shift)
    istar = jnp.where(r > 0, pfx + 1, 0)

    mask = gt | (eq & (iota < istar))
    xm_ref[...] = jnp.where(mask, xv, 0.0)


def _mm_body(xm_ref, w_ref, b_ref, o_ref):
    acc = jax.lax.dot_general(
        xm_ref[...], w_ref[...], (((1,), (1,)), ((), ())),
        preferred_element_type=jnp.float32,
    )
    o_ref[...] = acc + b_ref[...]


def _lane_sum(v):
    lane = lax.iota(jnp.int32, 16)
    for sh in (8, 4, 2, 1):
        perm = jnp.bitwise_xor(lane, sh)
        v = v + v.at[perm].get(mode="promise_in_bounds", unique_indices=True)
    return v


_sc_mesh = plsc.VectorSubcoreMesh(core_axis_name="c", subcore_axis_name="s")


@functools.partial(
    pl.kernel,
    mesh=_sc_mesh,
    out_type=jax.ShapeDtypeStruct((1, _SC_R), jnp.float32),
    scratch_types=[
        pltpu.VMEM((1, _IN), jnp.float32),
        pltpu.VMEM((_G, _IN), jnp.float32),
        pltpu.VMEM((_G, _IN), jnp.float32),
        pltpu.VMEM((_R_PER,), jnp.float32),
        pltpu.VMEM((_R_PER,), jnp.float32),
        pltpu.SemaphoreType.DMA,
        pltpu.SemaphoreType.DMA,
    ],
)
def _sc_matvec(xm_hbm, w_hbm, b_hbm, out_hbm,
               xm_v, bufa, bufb, acc_v, bias_v, sema, semb):
    cid = lax.axis_index("c")
    sid = lax.axis_index("s")
    wid = sid * 2 + cid
    base = _S + wid * _R_PER
    obase = wid * _R_PER

    pltpu.sync_copy(xm_hbm, xm_v)
    pltpu.sync_copy(b_hbm.at[0, pl.ds(base, _R_PER)], bias_v)

    lane = lax.iota(jnp.int32, 16)
    bufs = (bufa, bufb)
    sems = (sema, semb)

    cp = pltpu.async_copy(w_hbm.at[pl.ds(base, _G), :], bufa, sema)
    for gi in range(_NGRP):
        buf = bufs[gi % 2]
        if gi + 1 < _NGRP:
            cp_next = pltpu.async_copy(
                w_hbm.at[pl.ds(base + (gi + 1) * _G, _G), :],
                bufs[(gi + 1) % 2], sems[(gi + 1) % 2])
        cp.wait()

        zero = jnp.zeros((16,), jnp.float32)

        def chunk(ci, accs):
            off = ci * 16
            xc = xm_v[0, pl.ds(off, 16)]
            return tuple(
                accs[j] + buf[j, pl.ds(off, 16)] * xc for j in range(_G)
            )

        accs = lax.fori_loop(0, _IN // 16, chunk, (zero,) * _G)

        out_chunk = jnp.zeros((16,), jnp.float32)
        for j in range(_G):
            red = _lane_sum(accs[j])
            lane_j = (gi * _G + j) % 16
            out_chunk = out_chunk + jnp.where(
                lane == lane_j, red, jnp.float32(0.0))
        t = (gi * _G) // 16
        half = (gi * _G) % 16
        if half == 0:
            pending = out_chunk
        else:
            full = pending + out_chunk
            acc_v[pl.ds(t * 16, 16)] = full + bias_v[pl.ds(t * 16, 16)]
        if gi + 1 < _NGRP:
            cp = cp_next

    pltpu.sync_copy(acc_v, out_hbm.at[0, pl.ds(obase, _R_PER)])


@jax.jit
def _run(x2, w, b2):
    xm = pl.pallas_call(
        _select_body,
        out_shape=jax.ShapeDtypeStruct((1, _IN), jnp.float32),
    )(x2)

    tc_out = pl.pallas_call(
        _mm_body,
        grid=(_S // _BO,),
        in_specs=[
            pl.BlockSpec((1, _IN), lambda g: (0, 0)),
            pl.BlockSpec((_BO, _IN), lambda g: (g, 0)),
            pl.BlockSpec((1, _BO), lambda g: (0, g)),
        ],
        out_specs=pl.BlockSpec((1, _BO), lambda g: (0, g)),
        out_shape=jax.ShapeDtypeStruct((1, _S), jnp.float32),
    )(xm, w, b2)

    sc_out = _sc_matvec(xm, w, b2)
    return jnp.concatenate([tc_out, sc_out], axis=1)


def kernel(x, weight, bias):
    bsz, seq, _ = x.shape
    out = _run(x.reshape(1, _IN), weight, bias.reshape(1, _OUT))
    return out.reshape(bsz, seq, _OUT)

# --- scband reference (transcript-rebuilt; emitter-appended) ---
"""Pipeline reference for scband-cached-sddmm-linear-28192165331682 (READ-ONLY COPY).

The authoritative reference and input builder live on the scoring server;
editing this copy changes nothing except your own understanding.
"""

import jax, jax.numpy as jnp
import numpy as np

IN_FEATURES = 4096
OUT_FEATURES = 4096
TOPK = int(IN_FEATURES * 0.3)  # 1228


def setup_inputs(seed: int = 0) -> dict:
    key = jax.random.key(seed)
    k1, k2, k3 = jax.random.split(key, 3)
    x = jax.random.normal(k1, (1, 1, IN_FEATURES), dtype=jnp.float32)
    weight = jax.random.normal(k2, (OUT_FEATURES, IN_FEATURES), dtype=jnp.float32) * 0.02
    bias = jax.random.normal(k3, (OUT_FEATURES,), dtype=jnp.float32) * 0.02
    return {"x": x, "weight": weight, "bias": bias}


def reference(x, weight, bias):
    # Faithful first-call semantics of CachedSddmmLinear.forward with bsz*seq == 1:
    # cache is empty -> best_recall (0.0) < recall_thres -> cache_slice(topk_indices)
    # -> use freshly computed topk_indices and weight[:, topk_indices].
    bsz, seq, _ = x.shape
    xf = x.reshape(bsz * seq, -1)
    # get_topk_indices: abs, flatten, argsort descending, take topk
    scores = jnp.abs(xf.reshape(-1)).astype(jnp.float32)
    order = jnp.argsort(-scores)
    topk_indices = order[:TOPK]
    # cache_slice: weight_slice = weight[:, indices]
    weight_slice = jnp.take(weight, topk_indices, axis=1)
    # sliced SDDMM-style matmul
    output = xf[:, topk_indices] @ weight_slice.T
    output = output + bias
    return output.reshape(bsz, seq, -1)

if __name__ == "__main__":
    import jax
    _d = setup_inputs()
    print(jax.jit(kernel)(*tuple(_d.values())))

</pallas_src>

<mosaic_0001>
#map = affine_map<(d0, d1) -> (0, 0)>
module attributes {stable_mosaic.version = 14 : i64} {
  func.func @_sc_matvec(%arg0: i32, %arg1: i32, %arg2: memref<1x4096xf32, #tpu.memory_space<hbm>>, %arg3: memref<4096x4096xf32, #tpu.memory_space<hbm>>, %arg4: memref<1x4096xf32, #tpu.memory_space<hbm>>, %arg5: memref<1x512xf32, #tpu.memory_space<hbm>>, %arg6: memref<1x4096xf32, #tpu.memory_space<vmem>>, %arg7: memref<8x4096xf32, #tpu.memory_space<vmem>>, %arg8: memref<8x4096xf32, #tpu.memory_space<vmem>>, %arg9: memref<16xf32, #tpu.memory_space<vmem>>, %arg10: memref<16xf32, #tpu.memory_space<vmem>>, %arg11: memref<!tpu.dma_semaphore, #tpu.memory_space<semaphore_mem>>, %arg12: memref<!tpu.dma_semaphore, #tpu.memory_space<semaphore_mem>>) attributes {dimension_semantics = [#tpu.dimension_semantics<core_parallel>, #tpu.dimension_semantics<subcore_parallel>], iteration_bounds = array<i64: 2, 16>, scalar_prefetch = 0 : i64, scratch_operands = 7 : i64, tpu.core_type = #tpu.core_type<sc_vector_subcore>, window_params = [{transform_indices = #map}, {transform_indices = #map}, {transform_indices = #map}, {transform_indices = #map}]} {
    %mul3A = arith.constant 2 : i32
    %mul3A_0 = arith.muli %arg1, %mul3A : i32
    %add3A = arith.addi %mul3A_0, %arg0 : i32
    %mul3A_1 = arith.constant 16 : i32
    %mul3A_2 = arith.muli %add3A, %mul3A_1 : i32
    %add3A_3 = arith.constant 3584 : i32
    %add3A_4 = arith.addi %add3A_3, %mul3A_2 : i32
    %mul3A_5 = arith.constant 16 : i32
    %mul3A_6 = arith.muli %add3A, %mul3A_5 : i32
    "tpu.region"() ({
      %run_scoped3A_1067 = tpu.sem_alloc : memref<!tpu.dma_semaphore, #tpu.memory_space<semaphore_mem>>
      tpu.enqueue_dma source(%arg2 : memref<1x4096xf32, #tpu.memory_space<hbm>>) target(%arg6 : memref<1x4096xf32, #tpu.memory_space<vmem>>) target_semaphore(%run_scoped3A_1067 : memref<!tpu.dma_semaphore, #tpu.memory_space<semaphore_mem>>)
      tpu.wait_dma2 semaphore(%run_scoped3A_1067 : memref<!tpu.dma_semaphore, #tpu.memory_space<semaphore_mem>>) src(%arg2 : memref<1x4096xf32, #tpu.memory_space<hbm>>) dst(%arg6 : memref<1x4096xf32, #tpu.memory_space<vmem>>)
      tpu.yield
    }) : () -> ()
    %run_scoped3A = arith.constant 0 : i32
    "tpu.region"() ({
      %run_scoped3A_1067 = tpu.sem_alloc : memref<!tpu.dma_semaphore, #tpu.memory_space<semaphore_mem>>
      %dma_start3A_1068 = tpu.memref_slice %arg4[%run_scoped3A, %add3A_4] : memref<1x4096xf32, #tpu.memory_space<hbm>> -> memref<1x16xf32, #tpu.memory_space<hbm>>
      %dma_start3A_1069 = tpu.memref_squeeze %dma_start3A_1068 : memref<1x16xf32, #tpu.memory_space<hbm>> -> memref<16xf32, #tpu.memory_space<hbm>>
      %dma_start3A_1070 = tpu.memref_slice %arg4[%run_scoped3A, %add3A_4] : memref<1x4096xf32, #tpu.memory_space<hbm>> -> memref<1x16xf32, #tpu.memory_space<hbm>>
      %dma_start3A_1071 = tpu.memref_squeeze %dma_start3A_1070 : memref<1x16xf32, #tpu.memory_space<hbm>> -> memref<16xf32, #tpu.memory_space<hbm>>
      tpu.enqueue_dma source(%dma_start3A_1071 : memref<16xf32, #tpu.memory_space<hbm>>) target(%arg10 : memref<16xf32, #tpu.memory_space<vmem>>) target_semaphore(%run_scoped3A_1067 : memref<!tpu.dma_semaphore, #tpu.memory_space<semaphore_mem>>)
      %dma_wait3A_1072 = tpu.memref_slice %arg4[%run_scoped3A, %add3A_4] : memref<1x4096xf32, #tpu.memory_space<hbm>> -> memref<1x16xf32, #tpu.memory_space<hbm>>
      %dma_wait3A_1073 = tpu.memref_squeeze %dma_wait3A_1072 : memref<1x16xf32, #tpu.memory_space<hbm>> -> memref<16xf32, #tpu.memory_space<hbm>>
      %dma_wait3A_1074 = tpu.memref_slice %arg4[%run_scoped3A, %add3A_4] : memref<1x4096xf32, #tpu.memory_space<hbm>> -> memref<1x16xf32, #tpu.memory_space<hbm>>
      %dma_wait3A_1075 = tpu.memref_squeeze %dma_wait3A_1074 : memref<1x16xf32, #tpu.memory_space<hbm>> -> memref<16xf32, #tpu.memory_space<hbm>>
      tpu.wait_dma2 semaphore(%run_scoped3A_1067 : memref<!tpu.dma_semaphore, #tpu.memory_space<semaphore_mem>>) src(%dma_wait3A_1075 : memref<16xf32, #tpu.memory_space<hbm>>) dst(%arg10 : memref<16xf32, #tpu.memory_space<vmem>>)
      tpu.yield
    }) : () -> ()
    %iota3A = tpu.iota {dimensions = array<i32: 0>} : vector<16xi32>
    %dma_start3A = arith.constant 0 : i32
    %dma_start3A_7 = tpu.memref_slice %arg3[%add3A_4, %dma_start3A] : memref<4096x4096xf32, #tpu.memory_space<hbm>> -> memref<8x4096xf32, #tpu.memory_space<hbm>>
    %dma_start3A_8 = arith.constant 0 : i32
    %dma_start3A_9 = tpu.memref_slice %arg3[%add3A_4, %dma_start3A_8] : memref<4096x4096xf32, #tpu.memory_space<hbm>> -> memref<8x4096xf32, #tpu.memory_space<hbm>>
    tpu.enqueue_dma source(%dma_start3A_9 : memref<8x4096xf32, #tpu.memory_space<hbm>>) target(%arg7 : memref<8x4096xf32, #tpu.memory_space<vmem>>) target_semaphore(%arg11 : memref<!tpu.dma_semaphore, #tpu.memory_space<semaphore_mem>>)
    %add3A_10 = arith.constant 8 : i32
    %add3A_11 = arith.addi %add3A_4, %add3A_10 : i32
    %dma_start3A_12 = arith.constant 0 : i32
    %dma_start3A_13 = tpu.memref_slice %arg3[%add3A_11, %dma_start3A_12] : memref<4096x4096xf32, #tpu.memory_space<hbm>> -> memref<8x4096xf32, #tpu.memory_space<hbm>>
    %dma_start3A_14 = arith.constant 0 : i32
    %dma_start3A_15 = tpu.memref_slice %arg3[%add3A_11, %dma_start3A_14] : memref<4096x4096xf32, #tpu.memory_space<hbm>> -> memref<8x4096xf32, #tpu.memory_space<hbm>>
    tpu.enqueue_dma source(%dma_start3A_15 : memref<8x4096xf32, #tpu.memory_space<hbm>>) target(%arg8 : memref<8x4096xf32, #tpu.memory_space<vmem>>) target_semaphore(%arg12 : memref<!tpu.dma_semaphore, #tpu.memory_space<semaphore_mem>>)
    %dma_wait3A = arith.constant 0 : i32
    %dma_wait3A_16 = tpu.memref_slice %arg3[%add3A_4, %dma_wait3A] : memref<4096x4096xf32, #tpu.memory_space<hbm>> -> memref<8x4096xf32, #tpu.memory_space<hbm>>
    %dma_wait3A_17 = arith.constant 0 : i32
    %dma_wait3A_18 = tpu.memref_slice %arg3[%add3A_4, %dma_wait3A_17] : memref<4096x4096xf32, #tpu.memory_space<hbm>> -> memref<8x4096xf32, #tpu.memory_space<hbm>>
    tpu.wait_dma2 semaphore(%arg11 : memref<!tpu.dma_semaphore, #tpu.memory_space<semaphore_mem>>) src(%dma_wait3A_18 : memref<8x4096xf32, #tpu.memory_space<hbm>>) dst(%arg7 : memref<8x4096xf32, #tpu.memory_space<vmem>>)
    %broadcast_in_dim3A = arith.constant 0.000000e+00 : f32
    %broadcast_in_dim3A_19 = vector.broadcast %broadcast_in_dim3A : f32 to vector<16xf32>
    %scan3A = arith.constant 0 : i32
    %scan3A_20 = arith.constant 256 : i32
    %scan3A_21 = arith.addi %scan3A, %scan3A_20 : i32
    %scan3A_22 = arith.constant 1 : i32
    %scan3A_23:8 = scf.for %scan3A_1067 = %scan3A to %scan3A_21 step %scan3A_22 iter_args(%scan3A_1068 = %broadcast_in_dim3A_19, %scan3A_1069 = %broadcast_in_dim3A_19, %scan3A_1070 = %broadcast_in_dim3A_19, %scan3A_1071 = %broadcast_in_dim3A_19, %scan3A_1072 = %broadcast_in_dim3A_19, %scan3A_1073 = %broadcast_in_dim3A_19, %scan3A_1074 = %broadcast_in_dim3A_19, %scan3A_1075 = %broadcast_in_dim3A_19) -> (vector<16xf32>, vector<16xf32>, vector<16xf32>, vector<16xf32>, vector<16xf32>, vector<16xf32>, vector<16xf32>, vector<16xf32>)  : i32 {
      %mul3A_1076 = arith.constant 16 : i32
      %mul3A_1077 = arith.muli %scan3A_1067, %mul3A_1076 : i32
      %get3A_1078 = arith.constant 0 : i32
      %get3A_1079 = arith.index_cast %get3A_1078 : i32 to index
      %get3A_1080 = arith.index_cast %mul3A_1077 : i32 to index
      %get3A_1081 = tpu.vector_load %arg6[%get3A_1079, %get3A_1080] {strides = array<i32>} : memref<1x4096xf32, #tpu.memory_space<vmem>>, vector<1x16xf32>,
      %get3A_1082 = vector.shape_cast %get3A_1081 : vector<1x16xf32> to vector<16xf32>
      %get3A_1083 = arith.constant 0 : i32
      %get3A_1084 = arith.index_cast %get3A_1083 : i32 to index
      %get3A_1085 = arith.index_cast %mul3A_1077 : i32 to index
      %get3A_1086 = tpu.vector_load %arg7[%get3A_1084, %get3A_1085] {strides = array<i32>} : memref<8x4096xf32, #tpu.memory_space<vmem>>, vector<1x16xf32>,
      %get3A_1087 = vector.shape_cast %get3A_1086 : vector<1x16xf32> to vector<16xf32>
      %mul3A_1088 = arith.mulf %get3A_1087, %get3A_1082 : vector<16xf32>
      %add3A_1089 = arith.addf %scan3A_1068, %mul3A_1088 : vector<16xf32>
      %get3A_1090 = arith.constant 1 : i32
      %get3A_1091 = arith.index_cast %get3A_1090 : i32 to index
      %get3A_1092 = arith.index_cast %mul3A_1077 : i32 to index
      %get3A_1093 = tpu.vector_load %arg7[%get3A_1091, %get3A_1092] {strides = array<i32>} : memref<8x4096xf32, #tpu.memory_space<vmem>>, vector<1x16xf32>,
      %get3A_1094 = vector.shape_cast %get3A_1093 : vector<1x16xf32> to vector<16xf32>
      %mul3A_1095 = arith.mulf %get3A_1094, %get3A_1082 : vector<16xf32>
      %add3A_1096 = arith.addf %scan3A_1069, %mul3A_1095 : vector<16xf32>
      %get3A_1097 = arith.constant 2 : i32
      %get3A_1098 = arith.index_cast %get3A_1097 : i32 to index
      %get3A_1099 = arith.index_cast %mul3A_1077 : i32 to index
      %get3A_1100 = tpu.vector_load %arg7[%get3A_1098, %get3A_1099] {strides = array<i32>} : memref<8x4096xf32, #tpu.memory_space<vmem>>, vector<1x16xf32>,
      %get3A_1101 = vector.shape_cast %get3A_1100 : vector<1x16xf32> to vector<16xf32>
      %mul3A_1102 = arith.mulf %get3A_1101, %get3A_1082 : vector<16xf32>
      %add3A_1103 = arith.addf %scan3A_1070, %mul3A_1102 : vector<16xf32>
      %get3A_1104 = arith.constant 3 : i32
      %get3A_1105 = arith.index_cast %get3A_1104 : i32 to index
      %get3A_1106 = arith.index_cast %mul3A_1077 : i32 to index
      %get3A_1107 = tpu.vector_load %arg7[%get3A_1105, %get3A_1106] {strides = array<i32>} : memref<8x4096xf32, #tpu.memory_space<vmem>>, vector<1x16xf32>,
      %get3A_1108 = vector.shape_cast %get3A_1107 : vector<1x16xf32> to vector<16xf32>
      %mul3A_1109 = arith.mulf %get3A_1108, %get3A_1082 : vector<16xf32>
      %add3A_1110 = arith.addf %scan3A_1071, %mul3A_1109 : vector<16xf32>
      %get3A_1111 = arith.constant 4 : i32
      %get3A_1112 = arith.index_cast %get3A_1111 : i32 to index
      %get3A_1113 = arith.index_cast %mul3A_1077 : i32 to index
      %get3A_1114 = tpu.vector_load %arg7[%get3A_1112, %get3A_1113] {strides = array<i32>} : memref<8x4096xf32, #tpu.memory_space<vmem>>, vector<1x16xf32>,
      %get3A_1115 = vector.shape_cast %get3A_1114 : vector<1x16xf32> to vector<16xf32>
      %mul3A_1116 = arith.mulf %get3A_1115, %get3A_1082 : vector<16xf32>
      %add3A_1117 = arith.addf %scan3A_1072, %mul3A_1116 : vector<16xf32>
      %get3A_1118 = arith.constant 5 : i32
      %get3A_1119 = arith.index_cast %get3A_1118 : i32 to index
      %get3A_1120 = arith.index_cast %mul3A_1077 : i32 to index
      %get3A_1121 = tpu.vector_load %arg7[%get3A_1119, %get3A_1120] {strides = array<i32>} : memref<8x4096xf32, #tpu.memory_space<vmem>>, vector<1x16xf32>,
      %get3A_1122 = vector.shape_cast %get3A_1121 : vector<1x16xf32> to vector<16xf32>
      %mul3A_1123 = arith.mulf %get3A_1122, %get3A_1082 : vector<16xf32>
      %add3A_1124 = arith.addf %scan3A_1073, %mul3A_1123 : vector<16xf32>
      %get3A_1125 = arith.constant 6 : i32
      %get3A_1126 = arith.index_cast %get3A_1125 : i32 to index
      %get3A_1127 = arith.index_cast %mul3A_1077 : i32 to index
      %get3A_1128 = tpu.vector_load %arg7[%get3A_1126, %get3A_1127] {strides = array<i32>} : memref<8x4096xf32, #tpu.memory_space<vmem>>, vector<1x16xf32>,
      %get3A_1129 = vector.shape_cast %get3A_1128 : vector<1x16xf32> to vector<16xf32>
      %mul3A_1130 = arith.mulf %get3A_1129, %get3A_1082 : vector<16xf32>
      %add3A_1131 = arith.addf %scan3A_1074, %mul3A_1130 : vector<16xf32>
      %get3A_1132 = arith.constant 7 : i32
      %get3A_1133 = arith.index_cast %get3A_1132 : i32 to index
      %get3A_1134 = arith.index_cast %mul3A_1077 : i32 to index
      %get3A_1135 = tpu.vector_load %arg7[%get3A_1133, %get3A_1134] {strides = array<i32>} : memref<8x4096xf32, #tpu.memory_space<vmem>>, vector<1x16xf32>,
      %get3A_1136 = vector.shape_cast %get3A_1135 : vector<1x16xf32> to vector<16xf32>
      %mul3A_1137 = arith.mulf %get3A_1136, %get3A_1082 : vector<16xf32>
      %add3A_1138 = arith.addf %scan3A_1075, %mul3A_1137 : vector<16xf32>
      scf.yield %add3A_1089, %add3A_1096, %add3A_1103, %add3A_1110, %add3A_1117, %add3A_1124, %add3A_1131, %add3A_1138 : vector<16xf32>, vector<16xf32>, vector<16xf32>, vector<16xf32>, vector<16xf32>, vector<16xf32>, vector<16xf32>, vector<16xf32>
    }
    %scan3A_24 = arith.constant 256 : i32
    %broadcast_in_dim3A_25 = arith.constant 0.000000e+00 : f32
    %broadcast_in_dim3A_26 = vector.broadcast %broadcast_in_dim3A_25 : f32 to vector<16xf32>
    %iota3A_27 = tpu.iota {dimensions = array<i32: 0>} : vector<16xi32>
    %xor3A = arith.constant 8 : i32
    %xor3A_28 = vector.broadcast %xor3A : i32 to vector<16xi32>
    %xor3A_29 = arith.xori %iota3A_27, %xor3A_28 : vector<16xi32>
    %lt3A = arith.constant 0 : i32
    %lt3A_30 = vector.broadcast %lt3A : i32 to vector<16xi32>
    %lt3A_31 = arith.cmpi slt, %xor3A_29, %lt3A_30 : vector<16xi32>
    %add3A_32 = arith.constant 16 : i32
    %add3A_33 = vector.broadcast %add3A_32 : i32 to vector<16xi32>
    %add3A_34 = arith.addi %xor3A_29, %add3A_33 : vector<16xi32>
    %select_n3A = arith.select %lt3A_31, %add3A_34, %xor3A_29 : vector<16xi1>, vector<16xi32>
    %broadcast_in_dim3A_35 = vector.shape_cast %select_n3A : vector<16xi32> to vector<16x1xi32>
    %gather3A = vector.shape_cast %broadcast_in_dim3A_35 : vector<16x1xi32> to vector<16xi32>
    %gather3A_36 = tpu.dynamic_gather %scan3A_23#0[%gather3A] in [0] : vector<16xf32>, vector<16xi32> -> vector<16xf32>
    %add3A_37 = arith.addf %scan3A_23#0, %gather3A_36 : vector<16xf32>
    %xor3A_38 = arith.constant 4 : i32
    %xor3A_39 = vector.broadcast %xor3A_38 : i32 to vector<16xi32>
    %xor3A_40 = arith.xori %iota3A_27, %xor3A_39 : vector<16xi32>
    %lt3A_41 = arith.constant 0 : i32
    %lt3A_42 = vector.broadcast %lt3A_41 : i32 to vector<16xi32>
    %lt3A_43 = arith.cmpi slt, %xor3A_40, %lt3A_42 : vector<16xi32>
    %add3A_44 = arith.constant 16 : i32
    %add3A_45 = vector.broadcast %add3A_44 : i32 to vector<16xi32>
    %add3A_46 = arith.addi %xor3A_40, %add3A_45 : vector<16xi32>
    %select_n3A_47 = arith.select %lt3A_43, %add3A_46, %xor3A_40 : vector<16xi1>, vector<16xi32>
    %broadcast_in_dim3A_48 = vector.shape_cast %select_n3A_47 : vector<16xi32> to vector<16x1xi32>
    %gather3A_49 = vector.shape_cast %broadcast_in_dim3A_48 : vector<16x1xi32> to vector<16xi32>
    %gather3A_50 = tpu.dynamic_gather %add3A_37[%gather3A_49] in [0] : vector<16xf32>, vector<16xi32> -> vector<16xf32>
    %add3A_51 = arith.addf %add3A_37, %gather3A_50 : vector<16xf32>
    %xor3A_52 = arith.constant 2 : i32
    %xor3A_53 = vector.broadcast %xor3A_52 : i32 to vector<16xi32>
    %xor3A_54 = arith.xori %iota3A_27, %xor3A_53 : vector<16xi32>
    %lt3A_55 = arith.constant 0 : i32
    %lt3A_56 = vector.broadcast %lt3A_55 : i32 to vector<16xi32>
    %lt3A_57 = arith.cmpi slt, %xor3A_54, %lt3A_56 : vector<16xi32>
    %add3A_58 = arith.constant 16 : i32
    %add3A_59 = vector.broadcast %add3A_58 : i32 to vector<16xi32>
    %add3A_60 = arith.addi %xor3A_54, %add3A_59 : vector<16xi32>
    %select_n3A_61 = arith.select %lt3A_57, %add3A_60, %xor3A_54 : vector<16xi1>, vector<16xi32>
    %broadcast_in_dim3A_62 = vector.shape_cast %select_n3A_61 : vector<16xi32> to vector<16x1xi32>
    %gather3A_63 = vector.shape_cast %broadcast_in_dim3A_62 : vector<16x1xi32> to vector<16xi32>
    %gather3A_64 = tpu.dynamic_gather %add3A_51[%gather3A_63] in [0] : vector<16xf32>, vector<16xi32> -> vector<16xf32>
    %add3A_65 = arith.addf %add3A_51, %gather3A_64 : vector<16xf32>
    %xor3A_66 = arith.constant 1 : i32
    %xor3A_67 = vector.broadcast %xor3A_66 : i32 to vector<16xi32>
    %xor3A_68 = arith.xori %iota3A_27, %xor3A_67 : vector<16xi32>
    %lt3A_69 = arith.constant 0 : i32
    %lt3A_70 = vector.broadcast %lt3A_69 : i32 to vector<16xi32>
    %lt3A_71 = arith.cmpi slt, %xor3A_68, %lt3A_70 : vector<16xi32>
    %add3A_72 = arith.constant 16 : i32
    %add3A_73 = vector.broadcast %add3A_72 : i32 to vector<16xi32>
    %add3A_74 = arith.addi %xor3A_68, %add3A_73 : vector<16xi32>
    %select_n3A_75 = arith.select %lt3A_71, %add3A_74, %xor3A_68 : vector<16xi1>, vector<16xi32>
    %broadcast_in_dim3A_76 = vector.shape_cast %select_n3A_75 : vector<16xi32> to vector<16x1xi32>
    %gather3A_77 = vector.shape_cast %broadcast_in_dim3A_76 : vector<16x1xi32> to vector<16xi32>
    %gather3A_78 = tpu.dynamic_gather %add3A_65[%gather3A_77] in [0] : vector<16xf32>, vector<16xi32> -> vector<16xf32>
    %add3A_79 = arith.addf %add3A_65, %gather3A_78 : vector<16xf32>
    %eq3A = arith.constant 0 : i32
    %eq3A_80 = vector.broadcast %eq3A : i32 to vector<16xi32>
    %eq3A_81 = arith.cmpi eq, %iota3A, %eq3A_80 : vector<16xi32>
    %jit3A = arith.constant 0.000000e+00 : f32
    %broadcast_in_dim3A_82 = vector.broadcast %jit3A : f32 to vector<16xf32>
    %select_n3A_83 = arith.select %eq3A_81, %add3A_79, %broadcast_in_dim3A_82 : vector<16xi1>, vector<16xf32>
    %add3A_84 = arith.addf %broadcast_in_dim3A_26, %select_n3A_83 : vector<16xf32>
    %iota3A_85 = tpu.iota {dimensions = array<i32: 0>} : vector<16xi32>
    %xor3A_86 = arith.constant 8 : i32
    %xor3A_87 = vector.broadcast %xor3A_86 : i32 to vector<16xi32>
    %xor3A_88 = arith.xori %iota3A_85, %xor3A_87 : vector<16xi32>
    %lt3A_89 = arith.constant 0 : i32
    %lt3A_90 = vector.broadcast %lt3A_89 : i32 to vector<16xi32>
    %lt3A_91 = arith.cmpi slt, %xor3A_88, %lt3A_90 : vector<16xi32>
    %add3A_92 = arith.constant 16 : i32
    %add3A_93 = vector.broadcast %add3A_92 : i32 to vector<16xi32>
    %add3A_94 = arith.addi %xor3A_88, %add3A_93 : vector<16xi32>
    %select_n3A_95 = arith.select %lt3A_91, %add3A_94, %xor3A_88 : vector<16xi1>, vector<16xi32>
    %broadcast_in_dim3A_96 = vector.shape_cast %select_n3A_95 : vector<16xi32> to vector<16x1xi32>
    %gather3A_97 = vector.shape_cast %broadcast_in_dim3A_96 : vector<16x1xi32> to vector<16xi32>
    %gather3A_98 = tpu.dynamic_gather %scan3A_23#1[%gather3A_97] in [0] : vector<16xf32>, vector<16xi32> -> vector<16xf32>
    %add3A_99 = arith.addf %scan3A_23#1, %gather3A_98 : vector<16xf32>
    %xor3A_100 = arith.constant 4 : i32
    %xor3A_101 = vector.broadcast %xor3A_100 : i32 to vector<16xi32>
    %xor3A_102 = arith.xori %iota3A_85, %xor3A_101 : vector<16xi32>
    %lt3A_103 = arith.constant 0 : i32
    %lt3A_104 = vector.broadcast %lt3A_103 : i32 to vector<16xi32>
    %lt3A_105 = arith.cmpi slt, %xor3A_102, %lt3A_104 : vector<16xi32>
    %add3A_106 = arith.constant 16 : i32
    %add3A_107 = vector.broadcast %add3A_106 : i32 to vector<16xi32>
    %add3A_108 = arith.addi %xor3A_102, %add3A_107 : vector<16xi32>
    %select_n3A_109 = arith.select %lt3A_105, %add3A_108, %xor3A_102 : vector<16xi1>, vector<16xi32>
    %broadcast_in_dim3A_110 = vector.shape_cast %select_n3A_109 : vector<16xi32> to vector<16x1xi32>
    %gather3A_111 = vector.shape_cast %broadcast_in_dim3A_110 : vector<16x1xi32> to vector<16xi32>
    %gather3A_112 = tpu.dynamic_gather %add3A_99[%gather3A_111] in [0] : vector<16xf32>, vector<16xi32> -> vector<16xf32>
    %add3A_113 = arith.addf %add3A_99, %gather3A_112 : vector<16xf32>
    %xor3A_114 = arith.constant 2 : i32
    %xor3A_115 = vector.broadcast %xor3A_114 : i32 to vector<16xi32>
    %xor3A_116 = arith.xori %iota3A_85, %xor3A_115 : vector<16xi32>
    %lt3A_117 = arith.constant 0 : i32
    %lt3A_118 = vector.broadcast %lt3A_117 : i32 to vector<16xi32>
    %lt3A_119 = arith.cmpi slt, %xor3A_116, %lt3A_118 : vector<16xi32>
    %add3A_120 = arith.constant 16 : i32
    %add3A_121 = vector.broadcast %add3A_120 : i32 to vector<16xi32>
    %add3A_122 = arith.addi %xor3A_116, %add3A_121 : vector<16xi32>
    %select_n3A_123 = arith.select %lt3A_119, %add3A_122, %xor3A_116 : vector<16xi1>, vector<16xi32>
    %broadcast_in_dim3A_124 = vector.shape_cast %select_n3A_123 : vector<16xi32> to vector<16x1xi32>
    %gather3A_125 = vector.shape_cast %broadcast_in_dim3A_124 : vector<16x1xi32> to vector<16xi32>
    %gather3A_126 = tpu.dynamic_gather %add3A_113[%gather3A_125] in [0] : vector<16xf32>, vector<16xi32> -> vector<16xf32>
    %add3A_127 = arith.addf %add3A_113, %gather3A_126 : vector<16xf32>
    %xor3A_128 = arith.constant 1 : i32
    %xor3A_129 = vector.broadcast %xor3A_128 : i32 to vector<16xi32>
    %xor3A_130 = arith.xori %iota3A_85, %xor3A_129 : vector<16xi32>
    %lt3A_131 = arith.constant 0 : i32
    %lt3A_132 = vector.broadcast %lt3A_131 : i32 to vector<16xi32>
    %lt3A_133 = arith.cmpi slt, %xor3A_130, %lt3A_132 : vector<16xi32>
    %add3A_134 = arith.constant 16 : i32
    %add3A_135 = vector.broadcast %add3A_134 : i32 to vector<16xi32>
    %add3A_136 = arith.addi %xor3A_130, %add3A_135 : vector<16xi32>
    %select_n3A_137 = arith.select %lt3A_133, %add3A_136, %xor3A_130 : vector<16xi1>, vector<16xi32>
    %broadcast_in_dim3A_138 = vector.shape_cast %select_n3A_137 : vector<16xi32> to vector<16x1xi32>
    %gather3A_139 = vector.shape_cast %broadcast_in_dim3A_138 : vector<16x1xi32> to vector<16xi32>
    %gather3A_140 = tpu.dynamic_gather %add3A_127[%gather3A_139] in [0] : vector<16xf32>, vector<16xi32> -> vector<16xf32>
    %add3A_141 = arith.addf %add3A_127, %gather3A_140 : vector<16xf32>
    %eq3A_142 = arith.constant 1 : i32
    %eq3A_143 = vector.broadcast %eq3A_142 : i32 to vector<16xi32>
    %eq3A_144 = arith.cmpi eq, %iota3A, %eq3A_143 : vector<16xi32>
    %jit3A_145 = arith.constant 0.000000e+00 : f32
    %broadcast_in_dim3A_146 = vector.broadcast %jit3A_145 : f32 to vector<16xf32>
    %select_n3A_147 = arith.select %eq3A_144, %add3A_141, %broadcast_in_dim3A_146 : vector<16xi1>, vector<16xf32>
    %add3A_148 = arith.addf %add3A_84, %select_n3A_147 : vector<16xf32>
    %iota3A_149 = tpu.iota {dimensions = array<i32: 0>} : vector<16xi32>
    %xor3A_150 = arith.constant 8 : i32
    %xor3A_151 = vector.broadcast %xor3A_150 : i32 to vector<16xi32>
    %xor3A_152 = arith.xori %iota3A_149, %xor3A_151 : vector<16xi32>
    %lt3A_153 = arith.constant 0 : i32
    %lt3A_154 = vector.broadcast %lt3A_153 : i32 to vector<16xi32>
    %lt3A_155 = arith.cmpi slt, %xor3A_152, %lt3A_154 : vector<16xi32>
    %add3A_156 = arith.constant 16 : i32
    %add3A_157 = vector.broadcast %add3A_156 : i32 to vector<16xi32>
    %add3A_158 = arith.addi %xor3A_152, %add3A_157 : vector<16xi32>
    %select_n3A_159 = arith.select %lt3A_155, %add3A_158, %xor3A_152 : vector<16xi1>, vector<16xi32>
    %broadcast_in_dim3A_160 = vector.shape_cast %select_n3A_159 : vector<16xi32> to vector<16x1xi32>
    %gather3A_161 = vector.shape_cast %broadcast_in_dim3A_160 : vector<16x1xi32> to vector<16xi32>
    %gather3A_162 = tpu.dynamic_gather %scan3A_23#2[%gather3A_161] in [0] : vector<16xf32>, vector<16xi32> -> vector<16xf32>
    %add3A_163 = arith.addf %scan3A_23#2, %gather3A_162 : vector<16xf32>
    %xor3A_164 = arith.constant 4 : i32
    %xor3A_165 = vector.broadcast %xor3A_164 : i32 to vector<16xi32>
    %xor3A_166 = arith.xori %iota3A_149, %xor3A_165 : vector<16xi32>
    %lt3A_167 = arith.constant 0 : i32
    %lt3A_168 = vector.broadcast %lt3A_167 : i32 to vector<16xi32>
    %lt3A_169 = arith.cmpi slt, %xor3A_166, %lt3A_168 : vector<16xi32>
    %add3A_170 = arith.constant 16 : i32
    %add3A_171 = vector.broadcast %add3A_170 : i32 to vector<16xi32>
    %add3A_172 = arith.addi %xor3A_166, %add3A_171 : vector<16xi32>
    %select_n3A_173 = arith.select %lt3A_169, %add3A_172, %xor3A_166 : vector<16xi1>, vector<16xi32>
    %broadcast_in_dim3A_174 = vector.shape_cast %select_n3A_173 : vector<16xi32> to vector<16x1xi32>
    %gather3A_175 = vector.shape_cast %broadcast_in_dim3A_174 : vector<16x1xi32> to vector<16xi32>
    %gather3A_176 = tpu.dynamic_gather %add3A_163[%gather3A_175] in [0] : vector<16xf32>, vector<16xi32> -> vector<16xf32>
    %add3A_177 = arith.addf %add3A_163, %gather3A_176 : vector<16xf32>
    %xor3A_178 = arith.constant 2 : i32
    %xor3A_179 = vector.broadcast %xor3A_178 : i32 to vector<16xi32>
    %xor3A_180 = arith.xori %iota3A_149, %xor3A_179 : vector<16xi32>
    %lt3A_181 = arith.constant 0 : i32
    %lt3A_182 = vector.broadcast %lt3A_181 : i32 to vector<16xi32>
    %lt3A_183 = arith.cmpi slt, %xor3A_180, %lt3A_182 : vector<16xi32>
    %add3A_184 = arith.constant 16 : i32
    %add3A_185 = vector.broadcast %add3A_184 : i32 to vector<16xi32>
    %add3A_186 = arith.addi %xor3A_180, %add3A_185 : vector<16xi32>
    %select_n3A_187 = arith.select %lt3A_183, %add3A_186, %xor3A_180 : vector<16xi1>, vector<16xi32>
    %broadcast_in_dim3A_188 = vector.shape_cast %select_n3A_187 : vector<16xi32> to vector<16x1xi32>
    %gather3A_189 = vector.shape_cast %broadcast_in_dim3A_188 : vector<16x1xi32> to vector<16xi32>
    %gather3A_190 = tpu.dynamic_gather %add3A_177[%gather3A_189] in [0] : vector<16xf32>, vector<16xi32> -> vector<16xf32>
    %add3A_191 = arith.addf %add3A_177, %gather3A_190 : vector<16xf32>
    %xor3A_192 = arith.constant 1 : i32
    %xor3A_193 = vector.broadcast %xor3A_192 : i32 to vector<16xi32>
    %xor3A_194 = arith.xori %iota3A_149, %xor3A_193 : vector<16xi32>
    %lt3A_195 = arith.constant 0 : i32
    %lt3A_196 = vector.broadcast %lt3A_195 : i32 to vector<16xi32>
    %lt3A_197 = arith.cmpi slt, %xor3A_194, %lt3A_196 : vector<16xi32>
    %add3A_198 = arith.constant 16 : i32
    %add3A_199 = vector.broadcast %add3A_198 : i32 to vector<16xi32>
    %add3A_200 = arith.addi %xor3A_194, %add3A_199 : vector<16xi32>
    %select_n3A_201 = arith.select %lt3A_197, %add3A_200, %xor3A_194 : vector<16xi1>, vector<16xi32>
    %broadcast_in_dim3A_202 = vector.shape_cast %select_n3A_201 : vector<16xi32> to vector<16x1xi32>
    %gather3A_203 = vector.shape_cast %broadcast_in_dim3A_202 : vector<16x1xi32> to vector<16xi32>
    %gather3A_204 = tpu.dynamic_gather %add3A_191[%gather3A_203] in [0] : vector<16xf32>, vector<16xi32> -> vector<16xf32>
    %add3A_205 = arith.addf %add3A_191, %gather3A_204 : vector<16xf32>
    %eq3A_206 = arith.constant 2 : i32
    %eq3A_207 = vector.broadcast %eq3A_206 : i32 to vector<16xi32>
    %eq3A_208 = arith.cmpi eq, %iota3A, %eq3A_207 : vector<16xi32>
    %jit3A_209 = arith.constant 0.000000e+00 : f32
    %broadcast_in_dim3A_210 = vector.broadcast %jit3A_209 : f32 to vector<16xf32>
    %select_n3A_211 = arith.select %eq3A_208, %add3A_205, %broadcast_in_dim3A_210 : vector<16xi1>, vector<16xf32>
    %add3A_212 = arith.addf %add3A_148, %select_n3A_211 : vector<16xf32>
    %iota3A_213 = tpu.iota {dimensions = array<i32: 0>} : vector<16xi32>
    %xor3A_214 = arith.constant 8 : i32
    %xor3A_215 = vector.broadcast %xor3A_214 : i32 to vector<16xi32>
    %xor3A_216 = arith.xori %iota3A_213, %xor3A_215 : vector<16xi32>
    %lt3A_217 = arith.constant 0 : i32
    %lt3A_218 = vector.broadcast %lt3A_217 : i32 to vector<16xi32>
    %lt3A_219 = arith.cmpi slt, %xor3A_216, %lt3A_218 : vector<16xi32>
    %add3A_220 = arith.constant 16 : i32
    %add3A_221 = vector.broadcast %add3A_220 : i32 to vector<16xi32>
    %add3A_222 = arith.addi %xor3A_216, %add3A_221 : vector<16xi32>
    %select_n3A_223 = arith.select %lt3A_219, %add3A_222, %xor3A_216 : vector<16xi1>, vector<16xi32>
    %broadcast_in_dim3A_224 = vector.shape_cast %select_n3A_223 : vector<16xi32> to vector<16x1xi32>
    %gather3A_225 = vector.shape_cast %broadcast_in_dim3A_224 : vector<16x1xi32> to vector<16xi32>
    %gather3A_226 = tpu.dynamic_gather %scan3A_23#3[%gather3A_225] in [0] : vector<16xf32>, vector<16xi32> -> vector<16xf32>
    %add3A_227 = arith.addf %scan3A_23#3, %gather3A_226 : vector<16xf32>
    %xor3A_228 = arith.constant 4 : i32
    %xor3A_229 = vector.broadcast %xor3A_228 : i32 to vector<16xi32>
    %xor3A_230 = arith.xori %iota3A_213, %xor3A_229 : vector<16xi32>
    %lt3A_231 = arith.constant 0 : i32
    %lt3A_232 = vector.broadcast %lt3A_231 : i32 to vector<16xi32>
    %lt3A_233 = arith.cmpi slt, %xor3A_230, %lt3A_232 : vector<16xi32>
    %add3A_234 = arith.constant 16 : i32
    %add3A_235 = vector.broadcast %add3A_234 : i32 to vector<16xi32>
    %add3A_236 = arith.addi %xor3A_230, %add3A_235 : vector<16xi32>
    %select_n3A_237 = arith.select %lt3A_233, %add3A_236, %xor3A_230 : vector<16xi1>, vector<16xi32>
    %broadcast_in_dim3A_238 = vector.shape_cast %select_n3A_237 : vector<16xi32> to vector<16x1xi32>
    %gather3A_239 = vector.shape_cast %broadcast_in_dim3A_238 : vector<16x1xi32> to vector<16xi32>
    %gather3A_240 = tpu.dynamic_gather %add3A_227[%gather3A_239] in [0] : vector<16xf32>, vector<16xi32> -> vector<16xf32>
    %add3A_241 = arith.addf %add3A_227, %gather3A_240 : vector<16xf32>
    %xor3A_242 = arith.constant 2 : i32
    %xor3A_243 = vector.broadcast %xor3A_242 : i32 to vector<16xi32>
    %xor3A_244 = arith.xori %iota3A_213, %xor3A_243 : vector<16xi32>
    %lt3A_245 = arith.constant 0 : i32
    %lt3A_246 = vector.broadcast %lt3A_245 : i32 to vector<16xi32>
    %lt3A_247 = arith.cmpi slt, %xor3A_244, %lt3A_246 : vector<16xi32>
    %add3A_248 = arith.constant 16 : i32
    %add3A_249 = vector.broadcast %add3A_248 : i32 to vector<16xi32>
    %add3A_250 = arith.addi %xor3A_244, %add3A_249 : vector<16xi32>
    %select_n3A_251 = arith.select %lt3A_247, %add3A_250, %xor3A_244 : vector<16xi1>, vector<16xi32>
    %broadcast_in_dim3A_252 = vector.shape_cast %select_n3A_251 : vector<16xi32> to vector<16x1xi32>
    %gather3A_253 = vector.shape_cast %broadcast_in_dim3A_252 : vector<16x1xi32> to vector<16xi32>
    %gather3A_254 = tpu.dynamic_gather %add3A_241[%gather3A_253] in [0] : vector<16xf32>, vector<16xi32> -> vector<16xf32>
    %add3A_255 = arith.addf %add3A_241, %gather3A_254 : vector<16xf32>
    %xor3A_256 = arith.constant 1 : i32
    %xor3A_257 = vector.broadcast %xor3A_256 : i32 to vector<16xi32>
    %xor3A_258 = arith.xori %iota3A_213, %xor3A_257 : vector<16xi32>
    %lt3A_259 = arith.constant 0 : i32
    %lt3A_260 = vector.broadcast %lt3A_259 : i32 to vector<16xi32>
    %lt3A_261 = arith.cmpi slt, %xor3A_258, %lt3A_260 : vector<16xi32>
    %add3A_262 = arith.constant 16 : i32
    %add3A_263 = vector.broadcast %add3A_262 : i32 to vector<16xi32>
    %add3A_264 = arith.addi %xor3A_258, %add3A_263 : vector<16xi32>
    %select_n3A_265 = arith.select %lt3A_261, %add3A_264, %xor3A_258 : vector<16xi1>, vector<16xi32>
    %broadcast_in_dim3A_266 = vector.shape_cast %select_n3A_265 : vector<16xi32> to vector<16x1xi32>
    %gather3A_267 = vector.shape_cast %broadcast_in_dim3A_266 : vector<16x1xi32> to vector<16xi32>
    %gather3A_268 = tpu.dynamic_gather %add3A_255[%gather3A_267] in [0] : vector<16xf32>, vector<16xi32> -> vector<16xf32>
    %add3A_269 = arith.addf %add3A_255, %gather3A_268 : vector<16xf32>
    %eq3A_270 = arith.constant 3 : i32
    %eq3A_271 = vector.broadcast %eq3A_270 : i32 to vector<16xi32>
    %eq3A_272 = arith.cmpi eq, %iota3A, %eq3A_271 : vector<16xi32>
    %jit3A_273 = arith.constant 0.000000e+00 : f32
    %broadcast_in_dim3A_274 = vector.broadcast %jit3A_273 : f32 to vector<16xf32>
    %select_n3A_275 = arith.select %eq3A_272, %add3A_269, %broadcast_in_dim3A_274 : vector<16xi1>, vector<16xf32>
    %add3A_276 = arith.addf %add3A_212, %select_n3A_275 : vector<16xf32>
    %iota3A_277 = tpu.iota {dimensions = array<i32: 0>} : vector<16xi32>
    %xor3A_278 = arith.constant 8 : i32
    %xor3A_279 = vector.broadcast %xor3A_278 : i32 to vector<16xi32>
    %xor3A_280 = arith.xori %iota3A_277, %xor3A_279 : vector<16xi32>
    %lt3A_281 = arith.constant 0 : i32
    %lt3A_282 = vector.broadcast %lt3A_281 : i32 to vector<16xi32>
    %lt3A_283 = arith.cmpi slt, %xor3A_280, %lt3A_282 : vector<16xi32>
    %add3A_284 = arith.constant 16 : i32
    %add3A_285 = vector.broadcast %add3A_284 : i32 to vector<16xi32>
    %add3A_286 = arith.addi %xor3A_280, %add3A_285 : vector<16xi32>
    %select_n3A_287 = arith.select %lt3A_283, %add3A_286, %xor3A_280 : vector<16xi1>, vector<16xi32>
    %broadcast_in_dim3A_288 = vector.shape_cast %select_n3A_287 : vector<16xi32> to vector<16x1xi32>
    %gather3A_289 = vector.shape_cast %broadcast_in_dim3A_288 : vector<16x1xi32> to vector<16xi32>
    %gather3A_290 = tpu.dynamic_gather %scan3A_23#4[%gather3A_289] in [0] : vector<16xf32>, vector<16xi32> -> vector<16xf32>
    %add3A_291 = arith.addf %scan3A_23#4, %gather3A_290 : vector<16xf32>
    %xor3A_292 = arith.constant 4 : i32
    %xor3A_293 = vector.broadcast %xor3A_292 : i32 to vector<16xi32>
    %xor3A_294 = arith.xori %iota3A_277, %xor3A_293 : vector<16xi32>
    %lt3A_295 = arith.constant 0 : i32
    %lt3A_296 = vector.broadcast %lt3A_295 : i32 to vector<16xi32>
    %lt3A_297 = arith.cmpi slt, %xor3A_294, %lt3A_296 : vector<16xi32>
    %add3A_298 = arith.constant 16 : i32
    %add3A_299 = vector.broadcast %add3A_298 : i32 to vector<16xi32>
    %add3A_300 = arith.addi %xor3A_294, %add3A_299 : vector<16xi32>
    %select_n3A_301 = arith.select %lt3A_297, %add3A_300, %xor3A_294 : vector<16xi1>, vector<16xi32>
    %broadcast_in_dim3A_302 = vector.shape_cast %select_n3A_301 : vector<16xi32> to vector<16x1xi32>
    %gather3A_303 = vector.shape_cast %broadcast_in_dim3A_302 : vector<16x1xi32> to vector<16xi32>
    %gather3A_304 = tpu.dynamic_gather %add3A_291[%gather3A_303] in [0] : vector<16xf32>, vector<16xi32> -> vector<16xf32>
    %add3A_305 = arith.addf %add3A_291, %gather3A_304 : vector<16xf32>
    %xor3A_306 = arith.constant 2 : i32
    %xor3A_307 = vector.broadcast %xor3A_306 : i32 to vector<16xi32>
    %xor3A_308 = arith.xori %iota3A_277, %xor3A_307 : vector<16xi32>
    %lt3A_309 = arith.constant 0 : i32
    %lt3A_310 = vector.broadcast %lt3A_309 : i32 to vector<16xi32>
    %lt3A_311 = arith.cmpi slt, %xor3A_308, %lt3A_310 : vector<16xi32>
    %add3A_312 = arith.constant 16 : i32
    %add3A_313 = vector.broadcast %add3A_312 : i32 to vector<16xi32>
    %add3A_314 = arith.addi %xor3A_308, %add3A_313 : vector<16xi32>
    %select_n3A_315 = arith.select %lt3A_311, %add3A_314, %xor3A_308 : vector<16xi1>, vector<16xi32>
    %broadcast_in_dim3A_316 = vector.shape_cast %select_n3A_315 : vector<16xi32> to vector<16x1xi32>
    %gather3A_317 = vector.shape_cast %broadcast_in_dim3A_316 : vector<16x1xi32> to vector<16xi32>
    %gather3A_318 = tpu.dynamic_gather %add3A_305[%gather3A_317] in [0] : vector<16xf32>, vector<16xi32> -> vector<16xf32>
    %add3A_319 = arith.addf %add3A_305, %gather3A_318 : vector<16xf32>
    %xor3A_320 = arith.constant 1 : i32
    %xor3A_321 = vector.broadcast %xor3A_320 : i32 to vector<16xi32>
    %xor3A_322 = arith.xori %iota3A_277, %xor3A_321 : vector<16xi32>
    %lt3A_323 = arith.constant 0 : i32
    %lt3A_324 = vector.broadcast %lt3A_323 : i32 to vector<16xi32>
    %lt3A_325 = arith.cmpi slt, %xor3A_322, %lt3A_324 : vector<16xi32>
    %add3A_326 = arith.constant 16 : i32
    %add3A_327 = vector.broadcast %add3A_326 : i32 to vector<16xi32>
    %add3A_328 = arith.addi %xor3A_322, %add3A_327 : vector<16xi32>
    %select_n3A_329 = arith.select %lt3A_325, %add3A_328, %xor3A_322 : vector<16xi1>, vector<16xi32>
    %broadcast_in_dim3A_330 = vector.shape_cast %select_n3A_329 : vector<16xi32> to vector<16x1xi32>
    %gather3A_331 = vector.shape_cast %broadcast_in_dim3A_330 : vector<16x1xi32> to vector<16xi32>
    %gather3A_332 = tpu.dynamic_gather %add3A_319[%gather3A_331] in [0] : vector<16xf32>, vector<16xi32> -> vector<16xf32>
    %add3A_333 = arith.addf %add3A_319, %gather3A_332 : vector<16xf32>
    %eq3A_334 = arith.constant 4 : i32
    %eq3A_335 = vector.broadcast %eq3A_334 : i32 to vector<16xi32>
    %eq3A_336 = arith.cmpi eq, %iota3A, %eq3A_335 : vector<16xi32>
    %jit3A_337 = arith.constant 0.000000e+00 : f32
    %broadcast_in_dim3A_338 = vector.broadcast %jit3A_337 : f32 to vector<16xf32>
    %select_n3A_339 = arith.select %eq3A_336, %add3A_333, %broadcast_in_dim3A_338 : vector<16xi1>, vector<16xf32>
    %add3A_340 = arith.addf %add3A_276, %select_n3A_339 : vector<16xf32>
    %iota3A_341 = tpu.iota {dimensions = array<i32: 0>} : vector<16xi32>
    %xor3A_342 = arith.constant 8 : i32
    %xor3A_343 = vector.broadcast %xor3A_342 : i32 to vector<16xi32>
    %xor3A_344 = arith.xori %iota3A_341, %xor3A_343 : vector<16xi32>
    %lt3A_345 = arith.constant 0 : i32
    %lt3A_346 = vector.broadcast %lt3A_345 : i32 to vector<16xi32>
    %lt3A_347 = arith.cmpi slt, %xor3A_344, %lt3A_346 : vector<16xi32>
    %add3A_348 = arith.constant 16 : i32
    %add3A_349 = vector.broadcast %add3A_348 : i32 to vector<16xi32>
    %add3A_350 = arith.addi %xor3A_344, %add3A_349 : vector<16xi32>
    %select_n3A_351 = arith.select %lt3A_347, %add3A_350, %xor3A_344 : vector<16xi1>, vector<16xi32>
    %broadcast_in_dim3A_352 = vector.shape_cast %select_n3A_351 : vector<16xi32> to vector<16x1xi32>
    %gather3A_353 = vector.shape_cast %broadcast_in_dim3A_352 : vector<16x1xi32> to vector<16xi32>
    %gather3A_354 = tpu.dynamic_gather %scan3A_23#5[%gather3A_353] in [0] : vector<16xf32>, vector<16xi32> -> vector<16xf32>
    %add3A_355 = arith.addf %scan3A_23#5, %gather3A_354 : vector<16xf32>
    %xor3A_356 = arith.constant 4 : i32
    %xor3A_357 = vector.broadcast %xor3A_356 : i32 to vector<16xi32>
    %xor3A_358 = arith.xori %iota3A_341, %xor3A_357 : vector<16xi32>
    %lt3A_359 = arith.constant 0 : i32
    %lt3A_360 = vector.broadcast %lt3A_359 : i32 to vector<16xi32>
    %lt3A_361 = arith.cmpi slt, %xor3A_358, %lt3A_360 : vector<16xi32>
    %add3A_362 = arith.constant 16 : i32
    %add3A_363 = vector.broadcast %add3A_362 : i32 to vector<16xi32>
    %add3A_364 = arith.addi %xor3A_358, %add3A_363 : vector<16xi32>
    %select_n3A_365 = arith.select %lt3A_361, %add3A_364, %xor3A_358 : vector<16xi1>, vector<16xi32>
    %broadcast_in_dim3A_366 = vector.shape_cast %select_n3A_365 : vector<16xi32> to vector<16x1xi32>
    %gather3A_367 = vector.shape_cast %broadcast_in_dim3A_366 : vector<16x1xi32> to vector<16xi32>
    %gather3A_368 = tpu.dynamic_gather %add3A_355[%gather3A_367] in [0] : vector<16xf32>, vector<16xi32> -> vector<16xf32>
    %add3A_369 = arith.addf %add3A_355, %gather3A_368 : vector<16xf32>
    %xor3A_370 = arith.constant 2 : i32
    %xor3A_371 = vector.broadcast %xor3A_370 : i32 to vector<16xi32>
    %xor3A_372 = arith.xori %iota3A_341, %xor3A_371 : vector<16xi32>
    %lt3A_373 = arith.constant 0 : i32
    %lt3A_374 = vector.broadcast %lt3A_373 : i32 to vector<16xi32>
    %lt3A_375 = arith.cmpi slt, %xor3A_372, %lt3A_374 : vector<16xi32>
    %add3A_376 = arith.constant 16 : i32
    %add3A_377 = vector.broadcast %add3A_376 : i32 to vector<16xi32>
    %add3A_378 = arith.addi %xor3A_372, %add3A_377 : vector<16xi32>
    %select_n3A_379 = arith.select %lt3A_375, %add3A_378, %xor3A_372 : vector<16xi1>, vector<16xi32>
    %broadcast_in_dim3A_380 = vector.shape_cast %select_n3A_379 : vector<16xi32> to vector<16x1xi32>
    %gather3A_381 = vector.shape_cast %broadcast_in_dim3A_380 : vector<16x1xi32> to vector<16xi32>
    %gather3A_382 = tpu.dynamic_gather %add3A_369[%gather3A_381] in [0] : vector<16xf32>, vector<16xi32> -> vector<16xf32>
    %add3A_383 = arith.addf %add3A_369, %gather3A_382 : vector<16xf32>
    %xor3A_384 = arith.constant 1 : i32
    %xor3A_385 = vector.broadcast %xor3A_384 : i32 to vector<16xi32>
    %xor3A_386 = arith.xori %iota3A_341, %xor3A_385 : vector<16xi32>
    %lt3A_387 = arith.constant 0 : i32
    %lt3A_388 = vector.broadcast %lt3A_387 : i32 to vector<16xi32>
    %lt3A_389 = arith.cmpi slt, %xor3A_386, %lt3A_388 : vector<16xi32>
    %add3A_390 = arith.constant 16 : i32
    %add3A_391 = vector.broadcast %add3A_390 : i32 to vector<16xi32>
    %add3A_392 = arith.addi %xor3A_386, %add3A_391 : vector<16xi32>
    %select_n3A_393 = arith.select %lt3A_389, %add3A_392, %xor3A_386 : vector<16xi1>, vector<16xi32>
    %broadcast_in_dim3A_394 = vector.shape_cast %select_n3A_393 : vector<16xi32> to vector<16x1xi32>
    %gather3A_395 = vector.shape_cast %broadcast_in_dim3A_394 : vector<16x1xi32> to vector<16xi32>
    %gather3A_396 = tpu.dynamic_gather %add3A_383[%gather3A_395] in [0] : vector<16xf32>, vector<16xi32> -> vector<16xf32>
    %add3A_397 = arith.addf %add3A_383, %gather3A_396 : vector<16xf32>
    %eq3A_398 = arith.constant 5 : i32
    %eq3A_399 = vector.broadcast %eq3A_398 : i32 to vector<16xi32>
    %eq3A_400 = arith.cmpi eq, %iota3A, %eq3A_399 : vector<16xi32>
    %jit3A_401 = arith.constant 0.000000e+00 : f32
    %broadcast_in_dim3A_402 = vector.broadcast %jit3A_401 : f32 to vector<16xf32>
    %select_n3A_403 = arith.select %eq3A_400, %add3A_397, %broadcast_in_dim3A_402 : vector<16xi1>, vector<16xf32>
    %add3A_404 = arith.addf %add3A_340, %select_n3A_403 : vector<16xf32>
    %iota3A_405 = tpu.iota {dimensions = array<i32: 0>} : vector<16xi32>
    %xor3A_406 = arith.constant 8 : i32
    %xor3A_407 = vector.broadcast %xor3A_406 : i32 to vector<16xi32>
    %xor3A_408 = arith.xori %iota3A_405, %xor3A_407 : vector<16xi32>
    %lt3A_409 = arith.constant 0 : i32
    %lt3A_410 = vector.broadcast %lt3A_409 : i32 to vector<16xi32>
    %lt3A_411 = arith.cmpi slt, %xor3A_408, %lt3A_410 : vector<16xi32>
    %add3A_412 = arith.constant 16 : i32
    %add3A_413 = vector.broadcast %add3A_412 : i32 to vector<16xi32>
    %add3A_414 = arith.addi %xor3A_408, %add3A_413 : vector<16xi32>
    %select_n3A_415 = arith.select %lt3A_411, %add3A_414, %xor3A_408 : vector<16xi1>, vector<16xi32>
    %broadcast_in_dim3A_416 = vector.shape_cast %select_n3A_415 : vector<16xi32> to vector<16x1xi32>
    %gather3A_417 = vector.shape_cast %broadcast_in_dim3A_416 : vector<16x1xi32> to vector<16xi32>
    %gather3A_418 = tpu.dynamic_gather %scan3A_23#6[%gather3A_417] in [0] : vector<16xf32>, vector<16xi32> -> vector<16xf32>
    %add3A_419 = arith.addf %scan3A_23#6, %gather3A_418 : vector<16xf32>
    %xor3A_420 = arith.constant 4 : i32
    %xor3A_421 = vector.broadcast %xor3A_420 : i32 to vector<16xi32>
    %xor3A_422 = arith.xori %iota3A_405, %xor3A_421 : vector<16xi32>
    %lt3A_423 = arith.constant 0 : i32
    %lt3A_424 = vector.broadcast %lt3A_423 : i32 to vector<16xi32>
    %lt3A_425 = arith.cmpi slt, %xor3A_422, %lt3A_424 : vector<16xi32>
    %add3A_426 = arith.constant 16 : i32
    %add3A_427 = vector.broadcast %add3A_426 : i32 to vector<16xi32>
    %add3A_428 = arith.addi %xor3A_422, %add3A_427 : vector<16xi32>
    %select_n3A_429 = arith.select %lt3A_425, %add3A_428, %xor3A_422 : vector<16xi1>, vector<16xi32>
    %broadcast_in_dim3A_430 = vector.shape_cast %select_n3A_429 : vector<16xi32> to vector<16x1xi32>
    %gather3A_431 = vector.shape_cast %broadcast_in_dim3A_430 : vector<16x1xi32> to vector<16xi32>
    %gather3A_432 = tpu.dynamic_gather %add3A_419[%gather3A_431] in [0] : vector<16xf32>, vector<16xi32> -> vector<16xf32>
    %add3A_433 = arith.addf %add3A_419, %gather3A_432 : vector<16xf32>
    %xor3A_434 = arith.constant 2 : i32
    %xor3A_435 = vector.broadcast %xor3A_434 : i32 to vector<16xi32>
    %xor3A_436 = arith.xori %iota3A_405, %xor3A_435 : vector<16xi32>
    %lt3A_437 = arith.constant 0 : i32
    %lt3A_438 = vector.broadcast %lt3A_437 : i32 to vector<16xi32>
    %lt3A_439 = arith.cmpi slt, %xor3A_436, %lt3A_438 : vector<16xi32>
    %add3A_440 = arith.constant 16 : i32
    %add3A_441 = vector.broadcast %add3A_440 : i32 to vector<16xi32>
    %add3A_442 = arith.addi %xor3A_436, %add3A_441 : vector<16xi32>
    %select_n3A_443 = arith.select %lt3A_439, %add3A_442, %xor3A_436 : vector<16xi1>, vector<16xi32>
    %broadcast_in_dim3A_444 = vector.shape_cast %select_n3A_443 : vector<16xi32> to vector<16x1xi32>
    %gather3A_445 = vector.shape_cast %broadcast_in_dim3A_444 : vector<16x1xi32> to vector<16xi32>
    %gather3A_446 = tpu.dynamic_gather %add3A_433[%gather3A_445] in [0] : vector<16xf32>, vector<16xi32> -> vector<16xf32>
    %add3A_447 = arith.addf %add3A_433, %gather3A_446 : vector<16xf32>
    %xor3A_448 = arith.constant 1 : i32
    %xor3A_449 = vector.broadcast %xor3A_448 : i32 to vector<16xi32>
    %xor3A_450 = arith.xori %iota3A_405, %xor3A_449 : vector<16xi32>
    %lt3A_451 = arith.constant 0 : i32
    %lt3A_452 = vector.broadcast %lt3A_451 : i32 to vector<16xi32>
    %lt3A_453 = arith.cmpi slt, %xor3A_450, %lt3A_452 : vector<16xi32>
    %add3A_454 = arith.constant 16 : i32
    %add3A_455 = vector.broadcast %add3A_454 : i32 to vector<16xi32>
    %add3A_456 = arith.addi %xor3A_450, %add3A_455 : vector<16xi32>
    %select_n3A_457 = arith.select %lt3A_453, %add3A_456, %xor3A_450 : vector<16xi1>, vector<16xi32>
    %broadcast_in_dim3A_458 = vector.shape_cast %select_n3A_457 : vector<16xi32> to vector<16x1xi32>
    %gather3A_459 = vector.shape_cast %broadcast_in_dim3A_458 : vector<16x1xi32> to vector<16xi32>
    %gather3A_460 = tpu.dynamic_gather %add3A_447[%gather3A_459] in [0] : vector<16xf32>, vector<16xi32> -> vector<16xf32>
    %add3A_461 = arith.addf %add3A_447, %gather3A_460 : vector<16xf32>
    %eq3A_462 = arith.constant 6 : i32
    %eq3A_463 = vector.broadcast %eq3A_462 : i32 to vector<16xi32>
    %eq3A_464 = arith.cmpi eq, %iota3A, %eq3A_463 : vector<16xi32>
    %jit3A_465 = arith.constant 0.000000e+00 : f32
    %broadcast_in_dim3A_466 = vector.broadcast %jit3A_465 : f32 to vector<16xf32>
    %select_n3A_467 = arith.select %eq3A_464, %add3A_461, %broadcast_in_dim3A_466 : vector<16xi1>, vector<16xf32>
    %add3A_468 = arith.addf %add3A_404, %select_n3A_467 : vector<16xf32>
    %iota3A_469 = tpu.iota {dimensions = array<i32: 0>} : vector<16xi32>
    %xor3A_470 = arith.constant 8 : i32
    %xor3A_471 = vector.broadcast %xor3A_470 : i32 to vector<16xi32>
    %xor3A_472 = arith.xori %iota3A_469, %xor3A_471 : vector<16xi32>
    %lt3A_473 = arith.constant 0 : i32
    %lt3A_474 = vector.broadcast %lt3A_473 : i32 to vector<16xi32>
    %lt3A_475 = arith.cmpi slt, %xor3A_472, %lt3A_474 : vector<16xi32>
    %add3A_476 = arith.constant 16 : i32
    %add3A_477 = vector.broadcast %add3A_476 : i32 to vector<16xi32>
    %add3A_478 = arith.addi %xor3A_472, %add3A_477 : vector<16xi32>
    %select_n3A_479 = arith.select %lt3A_475, %add3A_478, %xor3A_472 : vector<16xi1>, vector<16xi32>
    %broadcast_in_dim3A_480 = vector.shape_cast %select_n3A_479 : vector<16xi32> to vector<16x1xi32>
    %gather3A_481 = vector.shape_cast %broadcast_in_dim3A_480 : vector<16x1xi32> to vector<16xi32>
    %gather3A_482 = tpu.dynamic_gather %scan3A_23#7[%gather3A_481] in [0] : vector<16xf32>, vector<16xi32> -> vector<16xf32>
    %add3A_483 = arith.addf %scan3A_23#7, %gather3A_482 : vector<16xf32>
    %xor3A_484 = arith.constant 4 : i32
    %xor3A_485 = vector.broadcast %xor3A_484 : i32 to vector<16xi32>
    %xor3A_486 = arith.xori %iota3A_469, %xor3A_485 : vector<16xi32>
    %lt3A_487 = arith.constant 0 : i32
    %lt3A_488 = vector.broadcast %lt3A_487 : i32 to vector<16xi32>
    %lt3A_489 = arith.cmpi slt, %xor3A_486, %lt3A_488 : vector<16xi32>
    %add3A_490 = arith.constant 16 : i32
    %add3A_491 = vector.broadcast %add3A_490 : i32 to vector<16xi32>
    %add3A_492 = arith.addi %xor3A_486, %add3A_491 : vector<16xi32>
    %select_n3A_493 = arith.select %lt3A_489, %add3A_492, %xor3A_486 : vector<16xi1>, vector<16xi32>
    %broadcast_in_dim3A_494 = vector.shape_cast %select_n3A_493 : vector<16xi32> to vector<16x1xi32>
    %gather3A_495 = vector.shape_cast %broadcast_in_dim3A_494 : vector<16x1xi32> to vector<16xi32>
    %gather3A_496 = tpu.dynamic_gather %add3A_483[%gather3A_495] in [0] : vector<16xf32>, vector<16xi32> -> vector<16xf32>
    %add3A_497 = arith.addf %add3A_483, %gather3A_496 : vector<16xf32>
    %xor3A_498 = arith.constant 2 : i32
    %xor3A_499 = vector.broadcast %xor3A_498 : i32 to vector<16xi32>
    %xor3A_500 = arith.xori %iota3A_469, %xor3A_499 : vector<16xi32>
    %lt3A_501 = arith.constant 0 : i32
    %lt3A_502 = vector.broadcast %lt3A_501 : i32 to vector<16xi32>
    %lt3A_503 = arith.cmpi slt, %xor3A_500, %lt3A_502 : vector<16xi32>
    %add3A_504 = arith.constant 16 : i32
    %add3A_505 = vector.broadcast %add3A_504 : i32 to vector<16xi32>
    %add3A_506 = arith.addi %xor3A_500, %add3A_505 : vector<16xi32>
    %select_n3A_507 = arith.select %lt3A_503, %add3A_506, %xor3A_500 : vector<16xi1>, vector<16xi32>
    %broadcast_in_dim3A_508 = vector.shape_cast %select_n3A_507 : vector<16xi32> to vector<16x1xi32>
    %gather3A_509 = vector.shape_cast %broadcast_in_dim3A_508 : vector<16x1xi32> to vector<16xi32>
    %gather3A_510 = tpu.dynamic_gather %add3A_497[%gather3A_509] in [0] : vector<16xf32>, vector<16xi32> -> vector<16xf32>
    %add3A_511 = arith.addf %add3A_497, %gather3A_510 : vector<16xf32>
    %xor3A_512 = arith.constant 1 : i32
    %xor3A_513 = vector.broadcast %xor3A_512 : i32 to vector<16xi32>
    %xor3A_514 = arith.xori %iota3A_469, %xor3A_513 : vector<16xi32>
    %lt3A_515 = arith.constant 0 : i32
    %lt3A_516 = vector.broadcast %lt3A_515 : i32 to vector<16xi32>
    %lt3A_517 = arith.cmpi slt, %xor3A_514, %lt3A_516 : vector<16xi32>
    %add3A_518 = arith.constant 16 : i32
    %add3A_519 = vector.broadcast %add3A_518 : i32 to vector<16xi32>
    %add3A_520 = arith.addi %xor3A_514, %add3A_519 : vector<16xi32>
    %select_n3A_521 = arith.select %lt3A_517, %add3A_520, %xor3A_514 : vector<16xi1>, vector<16xi32>
    %broadcast_in_dim3A_522 = vector.shape_cast %select_n3A_521 : vector<16xi32> to vector<16x1xi32>
    %gather3A_523 = vector.shape_cast %broadcast_in_dim3A_522 : vector<16x1xi32> to vector<16xi32>
    %gather3A_524 = tpu.dynamic_gather %add3A_511[%gather3A_523] in [0] : vector<16xf32>, vector<16xi32> -> vector<16xf32>
    %add3A_525 = arith.addf %add3A_511, %gather3A_524 : vector<16xf32>
    %eq3A_526 = arith.constant 7 : i32
    %eq3A_527 = vector.broadcast %eq3A_526 : i32 to vector<16xi32>
    %eq3A_528 = arith.cmpi eq, %iota3A, %eq3A_527 : vector<16xi32>
    %jit3A_529 = arith.constant 0.000000e+00 : f32
    %broadcast_in_dim3A_530 = vector.broadcast %jit3A_529 : f32 to vector<16xf32>
    %select_n3A_531 = arith.select %eq3A_528, %add3A_525, %broadcast_in_dim3A_530 : vector<16xi1>, vector<16xf32>
    %add3A_532 = arith.addf %add3A_468, %select_n3A_531 : vector<16xf32>
    %dma_wait3A_533 = arith.constant 0 : i32
    %dma_wait3A_534 = tpu.memref_slice %arg3[%add3A_11, %dma_wait3A_533] : memref<4096x4096xf32, #tpu.memory_space<hbm>> -> memref<8x4096xf32, #tpu.memory_space<hbm>>
    %dma_wait3A_535 = arith.constant 0 : i32
    %dma_wait3A_536 = tpu.memref_slice %arg3[%add3A_11, %dma_wait3A_535] : memref<4096x4096xf32, #tpu.memory_space<hbm>> -> memref<8x4096xf32, #tpu.memory_space<hbm>>
    tpu.wait_dma2 semaphore(%arg12 : memref<!tpu.dma_semaphore, #tpu.memory_space<semaphore_mem>>) src(%dma_wait3A_536 : memref<8x4096xf32, #tpu.memory_space<hbm>>) dst(%arg8 : memref<8x4096xf32, #tpu.memory_space<vmem>>)
    %broadcast_in_dim3A_537 = arith.constant 0.000000e+00 : f32
    %broadcast_in_dim3A_538 = vector.broadcast %broadcast_in_dim3A_537 : f32 to vector<16xf32>
    %scan3A_539 = arith.constant 0 : i32
    %scan3A_540 = arith.constant 256 : i32
    %scan3A_541 = arith.addi %scan3A_539, %scan3A_540 : i32
    %scan3A_542 = arith.constant 1 : i32
    %scan3A_543:8 = scf.for %scan3A_1067 = %scan3A_539 to %scan3A_541 step %scan3A_542 iter_args(%scan3A_1068 = %broadcast_in_dim3A_538, %scan3A_1069 = %broadcast_in_dim3A_538, %scan3A_1070 = %broadcast_in_dim3A_538, %scan3A_1071 = %broadcast_in_dim3A_538, %scan3A_1072 = %broadcast_in_dim3A_538, %scan3A_1073 = %broadcast_in_dim3A_538, %scan3A_1074 = %broadcast_in_dim3A_538, %scan3A_1075 = %broadcast_in_dim3A_538) -> (vector<16xf32>, vector<16xf32>, vector<16xf32>, vector<16xf32>, vector<16xf32>, vector<16xf32>, vector<16xf32>, vector<16xf32>)  : i32 {
      %mul3A_1076 = arith.constant 16 : i32
      %mul3A_1077 = arith.muli %scan3A_1067, %mul3A_1076 : i32
      %get3A_1078 = arith.constant 0 : i32
      %get3A_1079 = arith.index_cast %get3A_1078 : i32 to index
      %get3A_1080 = arith.index_cast %mul3A_1077 : i32 to index
      %get3A_1081 = tpu.vector_load %arg6[%get3A_1079, %get3A_1080] {strides = array<i32>} : memref<1x4096xf32, #tpu.memory_space<vmem>>, vector<1x16xf32>,
      %get3A_1082 = vector.shape_cast %get3A_1081 : vector<1x16xf32> to vector<16xf32>
      %get3A_1083 = arith.constant 0 : i32
      %get3A_1084 = arith.index_cast %get3A_1083 : i32 to index
      %get3A_1085 = arith.index_cast %mul3A_1077 : i32 to index
      %get3A_1086 = tpu.vector_load %arg8[%get3A_1084, %get3A_1085] {strides = array<i32>} : memref<8x4096xf32, #tpu.memory_space<vmem>>, vector<1x16xf32>,
      %get3A_1087 = vector.shape_cast %get3A_1086 : vector<1x16xf32> to vector<16xf32>
      %mul3A_1088 = arith.mulf %get3A_1087, %get3A_1082 : vector<16xf32>
      %add3A_1089 = arith.addf %scan3A_1068, %mul3A_1088 : vector<16xf32>
      %get3A_1090 = arith.constant 1 : i32
      %get3A_1091 = arith.index_cast %get3A_1090 : i32 to index
      %get3A_1092 = arith.index_cast %mul3A_1077 : i32 to index
      %get3A_1093 = tpu.vector_load %arg8[%get3A_1091, %get3A_1092] {strides = array<i32>} : memref<8x4096xf32, #tpu.memory_space<vmem>>, vector<1x16xf32>,
      %get3A_1094 = vector.shape_cast %get3A_1093 : vector<1x16xf32> to vector<16xf32>
      %mul3A_1095 = arith.mulf %get3A_1094, %get3A_1082 : vector<16xf32>
      %add3A_1096 = arith.addf %scan3A_1069, %mul3A_1095 : vector<16xf32>
      %get3A_1097 = arith.constant 2 : i32
      %get3A_1098 = arith.index_cast %get3A_1097 : i32 to index
      %get3A_1099 = arith.index_cast %mul3A_1077 : i32 to index
      %get3A_1100 = tpu.vector_load %arg8[%get3A_1098, %get3A_1099] {strides = array<i32>} : memref<8x4096xf32, #tpu.memory_space<vmem>>, vector<1x16xf32>,
      %get3A_1101 = vector.shape_cast %get3A_1100 : vector<1x16xf32> to vector<16xf32>
      %mul3A_1102 = arith.mulf %get3A_1101, %get3A_1082 : vector<16xf32>
      %add3A_1103 = arith.addf %scan3A_1070, %mul3A_1102 : vector<16xf32>
      %get3A_1104 = arith.constant 3 : i32
      %get3A_1105 = arith.index_cast %get3A_1104 : i32 to index
      %get3A_1106 = arith.index_cast %mul3A_1077 : i32 to index
      %get3A_1107 = tpu.vector_load %arg8[%get3A_1105, %get3A_1106] {strides = array<i32>} : memref<8x4096xf32, #tpu.memory_space<vmem>>, vector<1x16xf32>,
      %get3A_1108 = vector.shape_cast %get3A_1107 : vector<1x16xf32> to vector<16xf32>
      %mul3A_1109 = arith.mulf %get3A_1108, %get3A_1082 : vector<16xf32>
      %add3A_1110 = arith.addf %scan3A_1071, %mul3A_1109 : vector<16xf32>
      %get3A_1111 = arith.constant 4 : i32
      %get3A_1112 = arith.index_cast %get3A_1111 : i32 to index
      %get3A_1113 = arith.index_cast %mul3A_1077 : i32 to index
      %get3A_1114 = tpu.vector_load %arg8[%get3A_1112, %get3A_1113] {strides = array<i32>} : memref<8x4096xf32, #tpu.memory_space<vmem>>, vector<1x16xf32>,
      %get3A_1115 = vector.shape_cast %get3A_1114 : vector<1x16xf32> to vector<16xf32>
      %mul3A_1116 = arith.mulf %get3A_1115, %get3A_1082 : vector<16xf32>
      %add3A_1117 = arith.addf %scan3A_1072, %mul3A_1116 : vector<16xf32>
      %get3A_1118 = arith.constant 5 : i32
      %get3A_1119 = arith.index_cast %get3A_1118 : i32 to index
      %get3A_1120 = arith.index_cast %mul3A_1077 : i32 to index
      %get3A_1121 = tpu.vector_load %arg8[%get3A_1119, %get3A_1120] {strides = array<i32>} : memref<8x4096xf32, #tpu.memory_space<vmem>>, vector<1x16xf32>,
      %get3A_1122 = vector.shape_cast %get3A_1121 : vector<1x16xf32> to vector<16xf32>
      %mul3A_1123 = arith.mulf %get3A_1122, %get3A_1082 : vector<16xf32>
      %add3A_1124 = arith.addf %scan3A_1073, %mul3A_1123 : vector<16xf32>
      %get3A_1125 = arith.constant 6 : i32
      %get3A_1126 = arith.index_cast %get3A_1125 : i32 to index
      %get3A_1127 = arith.index_cast %mul3A_1077 : i32 to index
      %get3A_1128 = tpu.vector_load %arg8[%get3A_1126, %get3A_1127] {strides = array<i32>} : memref<8x4096xf32, #tpu.memory_space<vmem>>, vector<1x16xf32>,
      %get3A_1129 = vector.shape_cast %get3A_1128 : vector<1x16xf32> to vector<16xf32>
      %mul3A_1130 = arith.mulf %get3A_1129, %get3A_1082 : vector<16xf32>
      %add3A_1131 = arith.addf %scan3A_1074, %mul3A_1130 : vector<16xf32>
      %get3A_1132 = arith.constant 7 : i32
      %get3A_1133 = arith.index_cast %get3A_1132 : i32 to index
      %get3A_1134 = arith.index_cast %mul3A_1077 : i32 to index
      %get3A_1135 = tpu.vector_load %arg8[%get3A_1133, %get3A_1134] {strides = array<i32>} : memref<8x4096xf32, #tpu.memory_space<vmem>>, vector<1x16xf32>,
      %get3A_1136 = vector.shape_cast %get3A_1135 : vector<1x16xf32> to vector<16xf32>
      %mul3A_1137 = arith.mulf %get3A_1136, %get3A_1082 : vector<16xf32>
      %add3A_1138 = arith.addf %scan3A_1075, %mul3A_1137 : vector<16xf32>
      scf.yield %add3A_1089, %add3A_1096, %add3A_1103, %add3A_1110, %add3A_1117, %add3A_1124, %add3A_1131, %add3A_1138 : vector<16xf32>, vector<16xf32>, vector<16xf32>, vector<16xf32>, vector<16xf32>, vector<16xf32>, vector<16xf32>, vector<16xf32>
    }
    %scan3A_544 = arith.constant 256 : i32
    %broadcast_in_dim3A_545 = arith.constant 0.000000e+00 : f32
    %broadcast_in_dim3A_546 = vector.broadcast %broadcast_in_dim3A_545 : f32 to vector<16xf32>
    %iota3A_547 = tpu.iota {dimensions = array<i32: 0>} : vector<16xi32>
    %xor3A_548 = arith.constant 8 : i32
    %xor3A_549 = vector.broadcast %xor3A_548 : i32 to vector<16xi32>
    %xor3A_550 = arith.xori %iota3A_547, %xor3A_549 : vector<16xi32>
    %lt3A_551 = arith.constant 0 : i32
    %lt3A_552 = vector.broadcast %lt3A_551 : i32 to vector<16xi32>
    %lt3A_553 = arith.cmpi slt, %xor3A_550, %lt3A_552 : vector<16xi32>
    %add3A_554 = arith.constant 16 : i32
    %add3A_555 = vector.broadcast %add3A_554 : i32 to vector<16xi32>
    %add3A_556 = arith.addi %xor3A_550, %add3A_555 : vector<16xi32>
    %select_n3A_557 = arith.select %lt3A_553, %add3A_556, %xor3A_550 : vector<16xi1>, vector<16xi32>
    %broadcast_in_dim3A_558 = vector.shape_cast %select_n3A_557 : vector<16xi32> to vector<16x1xi32>
    %gather3A_559 = vector.shape_cast %broadcast_in_dim3A_558 : vector<16x1xi32> to vector<16xi32>
    %gather3A_560 = tpu.dynamic_gather %scan3A_543#0[%gather3A_559] in [0] : vector<16xf32>, vector<16xi32> -> vector<16xf32>
    %add3A_561 = arith.addf %scan3A_543#0, %gather3A_560 : vector<16xf32>
    %xor3A_562 = arith.constant 4 : i32
    %xor3A_563 = vector.broadcast %xor3A_562 : i32 to vector<16xi32>
    %xor3A_564 = arith.xori %iota3A_547, %xor3A_563 : vector<16xi32>
    %lt3A_565 = arith.constant 0 : i32
    %lt3A_566 = vector.broadcast %lt3A_565 : i32 to vector<16xi32>
    %lt3A_567 = arith.cmpi slt, %xor3A_564, %lt3A_566 : vector<16xi32>
    %add3A_568 = arith.constant 16 : i32
    %add3A_569 = vector.broadcast %add3A_568 : i32 to vector<16xi32>
    %add3A_570 = arith.addi %xor3A_564, %add3A_569 : vector<16xi32>
    %select_n3A_571 = arith.select %lt3A_567, %add3A_570, %xor3A_564 : vector<16xi1>, vector<16xi32>
    %broadcast_in_dim3A_572 = vector.shape_cast %select_n3A_571 : vector<16xi32> to vector<16x1xi32>
    %gather3A_573 = vector.shape_cast %broadcast_in_dim3A_572 : vector<16x1xi32> to vector<16xi32>
    %gather3A_574 = tpu.dynamic_gather %add3A_561[%gather3A_573] in [0] : vector<16xf32>, vector<16xi32> -> vector<16xf32>
    %add3A_575 = arith.addf %add3A_561, %gather3A_574 : vector<16xf32>
    %xor3A_576 = arith.constant 2 : i32
    %xor3A_577 = vector.broadcast %xor3A_576 : i32 to vector<16xi32>
    %xor3A_578 = arith.xori %iota3A_547, %xor3A_577 : vector<16xi32>
    %lt3A_579 = arith.constant 0 : i32
    %lt3A_580 = vector.broadcast %lt3A_579 : i32 to vector<16xi32>
    %lt3A_581 = arith.cmpi slt, %xor3A_578, %lt3A_580 : vector<16xi32>
    %add3A_582 = arith.constant 16 : i32
    %add3A_583 = vector.broadcast %add3A_582 : i32 to vector<16xi32>
    %add3A_584 = arith.addi %xor3A_578, %add3A_583 : vector<16xi32>
    %select_n3A_585 = arith.select %lt3A_581, %add3A_584, %xor3A_578 : vector<16xi1>, vector<16xi32>
    %broadcast_in_dim3A_586 = vector.shape_cast %select_n3A_585 : vector<16xi32> to vector<16x1xi32>
    %gather3A_587 = vector.shape_cast %broadcast_in_dim3A_586 : vector<16x1xi32> to vector<16xi32>
    %gather3A_588 = tpu.dynamic_gather %add3A_575[%gather3A_587] in [0] : vector<16xf32>, vector<16xi32> -> vector<16xf32>
    %add3A_589 = arith.addf %add3A_575, %gather3A_588 : vector<16xf32>
    %xor3A_590 = arith.constant 1 : i32
    %xor3A_591 = vector.broadcast %xor3A_590 : i32 to vector<16xi32>
    %xor3A_592 = arith.xori %iota3A_547, %xor3A_591 : vector<16xi32>
    %lt3A_593 = arith.constant 0 : i32
    %lt3A_594 = vector.broadcast %lt3A_593 : i32 to vector<16xi32>
    %lt3A_595 = arith.cmpi slt, %xor3A_592, %lt3A_594 : vector<16xi32>
    %add3A_596 = arith.constant 16 : i32
    %add3A_597 = vector.broadcast %add3A_596 : i32 to vector<16xi32>
    %add3A_598 = arith.addi %xor3A_592, %add3A_597 : vector<16xi32>
    %select_n3A_599 = arith.select %lt3A_595, %add3A_598, %xor3A_592 : vector<16xi1>, vector<16xi32>
    %broadcast_in_dim3A_600 = vector.shape_cast %select_n3A_599 : vector<16xi32> to vector<16x1xi32>
    %gather3A_601 = vector.shape_cast %broadcast_in_dim3A_600 : vector<16x1xi32> to vector<16xi32>
    %gather3A_602 = tpu.dynamic_gather %add3A_589[%gather3A_601] in [0] : vector<16xf32>, vector<16xi32> -> vector<16xf32>
    %add3A_603 = arith.addf %add3A_589, %gather3A_602 : vector<16xf32>
    %eq3A_604 = arith.constant 8 : i32
    %eq3A_605 = vector.broadcast %eq3A_604 : i32 to vector<16xi32>
    %eq3A_606 = arith.cmpi eq, %iota3A, %eq3A_605 : vector<16xi32>
    %jit3A_607 = arith.constant 0.000000e+00 : f32
    %broadcast_in_dim3A_608 = vector.broadcast %jit3A_607 : f32 to vector<16xf32>
    %select_n3A_609 = arith.select %eq3A_606, %add3A_603, %broadcast_in_dim3A_608 : vector<16xi1>, vector<16xf32>
    %add3A_610 = arith.addf %broadcast_in_dim3A_546, %select_n3A_609 : vector<16xf32>
    %iota3A_611 = tpu.iota {dimensions = array<i32: 0>} : vector<16xi32>
    %xor3A_612 = arith.constant 8 : i32
    %xor3A_613 = vector.broadcast %xor3A_612 : i32 to vector<16xi32>
    %xor3A_614 = arith.xori %iota3A_611, %xor3A_613 : vector<16xi32>
    %lt3A_615 = arith.constant 0 : i32
    %lt3A_616 = vector.broadcast %lt3A_615 : i32 to vector<16xi32>
    %lt3A_617 = arith.cmpi slt, %xor3A_614, %lt3A_616 : vector<16xi32>
    %add3A_618 = arith.constant 16 : i32
    %add3A_619 = vector.broadcast %add3A_618 : i32 to vector<16xi32>
    %add3A_620 = arith.addi %xor3A_614, %add3A_619 : vector<16xi32>
    %select_n3A_621 = arith.select %lt3A_617, %add3A_620, %xor3A_614 : vector<16xi1>, vector<16xi32>
    %broadcast_in_dim3A_622 = vector.shape_cast %select_n3A_621 : vector<16xi32> to vector<16x1xi32>
    %gather3A_623 = vector.shape_cast %broadcast_in_dim3A_622 : vector<16x1xi32> to vector<16xi32>
    %gather3A_624 = tpu.dynamic_gather %scan3A_543#1[%gather3A_623] in [0] : vector<16xf32>, vector<16xi32> -> vector<16xf32>
    %add3A_625 = arith.addf %scan3A_543#1, %gather3A_624 : vector<16xf32>
    %xor3A_626 = arith.constant 4 : i32
    %xor3A_627 = vector.broadcast %xor3A_626 : i32 to vector<16xi32>
    %xor3A_628 = arith.xori %iota3A_611, %xor3A_627 : vector<16xi32>
    %lt3A_629 = arith.constant 0 : i32
    %lt3A_630 = vector.broadcast %lt3A_629 : i32 to vector<16xi32>
    %lt3A_631 = arith.cmpi slt, %xor3A_628, %lt3A_630 : vector<16xi32>
    %add3A_632 = arith.constant 16 : i32
    %add3A_633 = vector.broadcast %add3A_632 : i32 to vector<16xi32>
    %add3A_634 = arith.addi %xor3A_628, %add3A_633 : vector<16xi32>
    %select_n3A_635 = arith.select %lt3A_631, %add3A_634, %xor3A_628 : vector<16xi1>, vector<16xi32>
    %broadcast_in_dim3A_636 = vector.shape_cast %select_n3A_635 : vector<16xi32> to vector<16x1xi32>
    %gather3A_637 = vector.shape_cast %broadcast_in_dim3A_636 : vector<16x1xi32> to vector<16xi32>
    %gather3A_638 = tpu.dynamic_gather %add3A_625[%gather3A_637] in [0] : vector<16xf32>, vector<16xi32> -> vector<16xf32>
    %add3A_639 = arith.addf %add3A_625, %gather3A_638 : vector<16xf32>
    %xor3A_640 = arith.constant 2 : i32
    %xor3A_641 = vector.broadcast %xor3A_640 : i32 to vector<16xi32>
    %xor3A_642 = arith.xori %iota3A_611, %xor3A_641 : vector<16xi32>
    %lt3A_643 = arith.constant 0 : i32
    %lt3A_644 = vector.broadcast %lt3A_643 : i32 to vector<16xi32>
    %lt3A_645 = arith.cmpi slt, %xor3A_642, %lt3A_644 : vector<16xi32>
    %add3A_646 = arith.constant 16 : i32
    %add3A_647 = vector.broadcast %add3A_646 : i32 to vector<16xi32>
    %add3A_648 = arith.addi %xor3A_642, %add3A_647 : vector<16xi32>
    %select_n3A_649 = arith.select %lt3A_645, %add3A_648, %xor3A_642 : vector<16xi1>, vector<16xi32>
    %broadcast_in_dim3A_650 = vector.shape_cast %select_n3A_649 : vector<16xi32> to vector<16x1xi32>
    %gather3A_651 = vector.shape_cast %broadcast_in_dim3A_650 : vector<16x1xi32> to vector<16xi32>
    %gather3A_652 = tpu.dynamic_gather %add3A_639[%gather3A_651] in [0] : vector<16xf32>, vector<16xi32> -> vector<16xf32>
    %add3A_653 = arith.addf %add3A_639, %gather3A_652 : vector<16xf32>
    %xor3A_654 = arith.constant 1 : i32
    %xor3A_655 = vector.broadcast %xor3A_654 : i32 to vector<16xi32>
    %xor3A_656 = arith.xori %iota3A_611, %xor3A_655 : vector<16xi32>
    %lt3A_657 = arith.constant 0 : i32
    %lt3A_658 = vector.broadcast %lt3A_657 : i32 to vector<16xi32>
    %lt3A_659 = arith.cmpi slt, %xor3A_656, %lt3A_658 : vector<16xi32>
    %add3A_660 = arith.constant 16 : i32
    %add3A_661 = vector.broadcast %add3A_660 : i32 to vector<16xi32>
    %add3A_662 = arith.addi %xor3A_656, %add3A_661 : vector<16xi32>
    %select_n3A_663 = arith.select %lt3A_659, %add3A_662, %xor3A_656 : vector<16xi1>, vector<16xi32>
    %broadcast_in_dim3A_664 = vector.shape_cast %select_n3A_663 : vector<16xi32> to vector<16x1xi32>
    %gather3A_665 = vector.shape_cast %broadcast_in_dim3A_664 : vector<16x1xi32> to vector<16xi32>
    %gather3A_666 = tpu.dynamic_gather %add3A_653[%gather3A_665] in [0] : vector<16xf32>, vector<16xi32> -> vector<16xf32>
    %add3A_667 = arith.addf %add3A_653, %gather3A_666 : vector<16xf32>
    %eq3A_668 = arith.constant 9 : i32
    %eq3A_669 = vector.broadcast %eq3A_668 : i32 to vector<16xi32>
    %eq3A_670 = arith.cmpi eq, %iota3A, %eq3A_669 : vector<16xi32>
    %jit3A_671 = arith.constant 0.000000e+00 : f32
    %broadcast_in_dim3A_672 = vector.broadcast %jit3A_671 : f32 to vector<16xf32>
    %select_n3A_673 = arith.select %eq3A_670, %add3A_667, %broadcast_in_dim3A_672 : vector<16xi1>, vector<16xf32>
    %add3A_674 = arith.addf %add3A_610, %select_n3A_673 : vector<16xf32>
    %iota3A_675 = tpu.iota {dimensions = array<i32: 0>} : vector<16xi32>
    %xor3A_676 = arith.constant 8 : i32
    %xor3A_677 = vector.broadcast %xor3A_676 : i32 to vector<16xi32>
    %xor3A_678 = arith.xori %iota3A_675, %xor3A_677 : vector<16xi32>
    %lt3A_679 = arith.constant 0 : i32
    %lt3A_680 = vector.broadcast %lt3A_679 : i32 to vector<16xi32>
    %lt3A_681 = arith.cmpi slt, %xor3A_678, %lt3A_680 : vector<16xi32>
    %add3A_682 = arith.constant 16 : i32
    %add3A_683 = vector.broadcast %add3A_682 : i32 to vector<16xi32>
    %add3A_684 = arith.addi %xor3A_678, %add3A_683 : vector<16xi32>
    %select_n3A_685 = arith.select %lt3A_681, %add3A_684, %xor3A_678 : vector<16xi1>, vector<16xi32>
    %broadcast_in_dim3A_686 = vector.shape_cast %select_n3A_685 : vector<16xi32> to vector<16x1xi32>
    %gather3A_687 = vector.shape_cast %broadcast_in_dim3A_686 : vector<16x1xi32> to vector<16xi32>
    %gather3A_688 = tpu.dynamic_gather %scan3A_543#2[%gather3A_687] in [0] : vector<16xf32>, vector<16xi32> -> vector<16xf32>
    %add3A_689 = arith.addf %scan3A_543#2, %gather3A_688 : vector<16xf32>
    %xor3A_690 = arith.constant 4 : i32
    %xor3A_691 = vector.broadcast %xor3A_690 : i32 to vector<16xi32>
    %xor3A_692 = arith.xori %iota3A_675, %xor3A_691 : vector<16xi32>
    %lt3A_693 = arith.constant 0 : i32
    %lt3A_694 = vector.broadcast %lt3A_693 : i32 to vector<16xi32>
    %lt3A_695 = arith.cmpi slt, %xor3A_692, %lt3A_694 : vector<16xi32>
    %add3A_696 = arith.constant 16 : i32
    %add3A_697 = vector.broadcast %add3A_696 : i32 to vector<16xi32>
    %add3A_698 = arith.addi %xor3A_692, %add3A_697 : vector<16xi32>
    %select_n3A_699 = arith.select %lt3A_695, %add3A_698, %xor3A_692 : vector<16xi1>, vector<16xi32>
    %broadcast_in_dim3A_700 = vector.shape_cast %select_n3A_699 : vector<16xi32> to vector<16x1xi32>
    %gather3A_701 = vector.shape_cast %broadcast_in_dim3A_700 : vector<16x1xi32> to vector<16xi32>
    %gather3A_702 = tpu.dynamic_gather %add3A_689[%gather3A_701] in [0] : vector<16xf32>, vector<16xi32> -> vector<16xf32>
    %add3A_703 = arith.addf %add3A_689, %gather3A_702 : vector<16xf32>
    %xor3A_704 = arith.constant 2 : i32
    %xor3A_705 = vector.broadcast %xor3A_704 : i32 to vector<16xi32>
    %xor3A_706 = arith.xori %iota3A_675, %xor3A_705 : vector<16xi32>
    %lt3A_707 = arith.constant 0 : i32
    %lt3A_708 = vector.broadcast %lt3A_707 : i32 to vector<16xi32>
    %lt3A_709 = arith.cmpi slt, %xor3A_706, %lt3A_708 : vector<16xi32>
    %add3A_710 = arith.constant 16 : i32
    %add3A_711 = vector.broadcast %add3A_710 : i32 to vector<16xi32>
    %add3A_712 = arith.addi %xor3A_706, %add3A_711 : vector<16xi32>
    %select_n3A_713 = arith.select %lt3A_709, %add3A_712, %xor3A_706 : vector<16xi1>, vector<16xi32>
    %broadcast_in_dim3A_714 = vector.shape_cast %select_n3A_713 : vector<16xi32> to vector<16x1xi32>
    %gather3A_715 = vector.shape_cast %broadcast_in_dim3A_714 : vector<16x1xi32> to vector<16xi32>
    %gather3A_716 = tpu.dynamic_gather %add3A_703[%gather3A_715] in [0] : vector<16xf32>, vector<16xi32> -> vector<16xf32>
    %add3A_717 = arith.addf %add3A_703, %gather3A_716 : vector<16xf32>
    %xor3A_718 = arith.constant 1 : i32
    %xor3A_719 = vector.broadcast %xor3A_718 : i32 to vector<16xi32>
    %xor3A_720 = arith.xori %iota3A_675, %xor3A_719 : vector<16xi32>
    %lt3A_721 = arith.constant 0 : i32
    %lt3A_722 = vector.broadcast %lt3A_721 : i32 to vector<16xi32>
    %lt3A_723 = arith.cmpi slt, %xor3A_720, %lt3A_722 : vector<16xi32>
    %add3A_724 = arith.constant 16 : i32
    %add3A_725 = vector.broadcast %add3A_724 : i32 to vector<16xi32>
    %add3A_726 = arith.addi %xor3A_720, %add3A_725 : vector<16xi32>
    %select_n3A_727 = arith.select %lt3A_723, %add3A_726, %xor3A_720 : vector<16xi1>, vector<16xi32>
    %broadcast_in_dim3A_728 = vector.shape_cast %select_n3A_727 : vector<16xi32> to vector<16x1xi32>
    %gather3A_729 = vector.shape_cast %broadcast_in_dim3A_728 : vector<16x1xi32> to vector<16xi32>
    %gather3A_730 = tpu.dynamic_gather %add3A_717[%gather3A_729] in [0] : vector<16xf32>, vector<16xi32> -> vector<16xf32>
    %add3A_731 = arith.addf %add3A_717, %gather3A_730 : vector<16xf32>
    %eq3A_732 = arith.constant 10 : i32
    %eq3A_733 = vector.broadcast %eq3A_732 : i32 to vector<16xi32>
    %eq3A_734 = arith.cmpi eq, %iota3A, %eq3A_733 : vector<16xi32>
    %jit3A_735 = arith.constant 0.000000e+00 : f32
    %broadcast_in_dim3A_736 = vector.broadcast %jit3A_735 : f32 to vector<16xf32>
    %select_n3A_737 = arith.select %eq3A_734, %add3A_731, %broadcast_in_dim3A_736 : vector<16xi1>, vector<16xf32>
    %add3A_738 = arith.addf %add3A_674, %select_n3A_737 : vector<16xf32>
    %iota3A_739 = tpu.iota {dimensions = array<i32: 0>} : vector<16xi32>
    %xor3A_740 = arith.constant 8 : i32
    %xor3A_741 = vector.broadcast %xor3A_740 : i32 to vector<16xi32>
    %xor3A_742 = arith.xori %iota3A_739, %xor3A_741 : vector<16xi32>
    %lt3A_743 = arith.constant 0 : i32
    %lt3A_744 = vector.broadcast %lt3A_743 : i32 to vector<16xi32>
    %lt3A_745 = arith.cmpi slt, %xor3A_742, %lt3A_744 : vector<16xi32>
    %add3A_746 = arith.constant 16 : i32
    %add3A_747 = vector.broadcast %add3A_746 : i32 to vector<16xi32>
    %add3A_748 = arith.addi %xor3A_742, %add3A_747 : vector<16xi32>
    %select_n3A_749 = arith.select %lt3A_745, %add3A_748, %xor3A_742 : vector<16xi1>, vector<16xi32>
    %broadcast_in_dim3A_750 = vector.shape_cast %select_n3A_749 : vector<16xi32> to vector<16x1xi32>
    %gather3A_751 = vector.shape_cast %broadcast_in_dim3A_750 : vector<16x1xi32> to vector<16xi32>
    %gather3A_752 = tpu.dynamic_gather %scan3A_543#3[%gather3A_751] in [0] : vector<16xf32>, vector<16xi32> -> vector<16xf32>
    %add3A_753 = arith.addf %scan3A_543#3, %gather3A_752 : vector<16xf32>
    %xor3A_754 = arith.constant 4 : i32
    %xor3A_755 = vector.broadcast %xor3A_754 : i32 to vector<16xi32>
    %xor3A_756 = arith.xori %iota3A_739, %xor3A_755 : vector<16xi32>
    %lt3A_757 = arith.constant 0 : i32
    %lt3A_758 = vector.broadcast %lt3A_757 : i32 to vector<16xi32>
    %lt3A_759 = arith.cmpi slt, %xor3A_756, %lt3A_758 : vector<16xi32>
    %add3A_760 = arith.constant 16 : i32
    %add3A_761 = vector.broadcast %add3A_760 : i32 to vector<16xi32>
    %add3A_762 = arith.addi %xor3A_756, %add3A_761 : vector<16xi32>
    %select_n3A_763 = arith.select %lt3A_759, %add3A_762, %xor3A_756 : vector<16xi1>, vector<16xi32>
    %broadcast_in_dim3A_764 = vector.shape_cast %select_n3A_763 : vector<16xi32> to vector<16x1xi32>
    %gather3A_765 = vector.shape_cast %broadcast_in_dim3A_764 : vector<16x1xi32> to vector<16xi32>
    %gather3A_766 = tpu.dynamic_gather %add3A_753[%gather3A_765] in [0] : vector<16xf32>, vector<16xi32> -> vector<16xf32>
    %add3A_767 = arith.addf %add3A_753, %gather3A_766 : vector<16xf32>
    %xor3A_768 = arith.constant 2 : i32
    %xor3A_769 = vector.broadcast %xor3A_768 : i32 to vector<16xi32>
    %xor3A_770 = arith.xori %iota3A_739, %xor3A_769 : vector<16xi32>
    %lt3A_771 = arith.constant 0 : i32
    %lt3A_772 = vector.broadcast %lt3A_771 : i32 to vector<16xi32>
    %lt3A_773 = arith.cmpi slt, %xor3A_770, %lt3A_772 : vector<16xi32>
    %add3A_774 = arith.constant 16 : i32
    %add3A_775 = vector.broadcast %add3A_774 : i32 to vector<16xi32>
    %add3A_776 = arith.addi %xor3A_770, %add3A_775 : vector<16xi32>
    %select_n3A_777 = arith.select %lt3A_773, %add3A_776, %xor3A_770 : vector<16xi1>, vector<16xi32>
    %broadcast_in_dim3A_778 = vector.shape_cast %select_n3A_777 : vector<16xi32> to vector<16x1xi32>
    %gather3A_779 = vector.shape_cast %broadcast_in_dim3A_778 : vector<16x1xi32> to vector<16xi32>
    %gather3A_780 = tpu.dynamic_gather %add3A_767[%gather3A_779] in [0] : vector<16xf32>, vector<16xi32> -> vector<16xf32>
    %add3A_781 = arith.addf %add3A_767, %gather3A_780 : vector<16xf32>
    %xor3A_782 = arith.constant 1 : i32
    %xor3A_783 = vector.broadcast %xor3A_782 : i32 to vector<16xi32>
    %xor3A_784 = arith.xori %iota3A_739, %xor3A_783 : vector<16xi32>
    %lt3A_785 = arith.constant 0 : i32
    %lt3A_786 = vector.broadcast %lt3A_785 : i32 to vector<16xi32>
    %lt3A_787 = arith.cmpi slt, %xor3A_784, %lt3A_786 : vector<16xi32>
    %add3A_788 = arith.constant 16 : i32
    %add3A_789 = vector.broadcast %add3A_788 : i32 to vector<16xi32>
    %add3A_790 = arith.addi %xor3A_784, %add3A_789 : vector<16xi32>
    %select_n3A_791 = arith.select %lt3A_787, %add3A_790, %xor3A_784 : vector<16xi1>, vector<16xi32>
    %broadcast_in_dim3A_792 = vector.shape_cast %select_n3A_791 : vector<16xi32> to vector<16x1xi32>
    %gather3A_793 = vector.shape_cast %broadcast_in_dim3A_792 : vector<16x1xi32> to vector<16xi32>
    %gather3A_794 = tpu.dynamic_gather %add3A_781[%gather3A_793] in [0] : vector<16xf32>, vector<16xi32> -> vector<16xf32>
    %add3A_795 = arith.addf %add3A_781, %gather3A_794 : vector<16xf32>
    %eq3A_796 = arith.constant 11 : i32
    %eq3A_797 = vector.broadcast %eq3A_796 : i32 to vector<16xi32>
    %eq3A_798 = arith.cmpi eq, %iota3A, %eq3A_797 : vector<16xi32>
    %jit3A_799 = arith.constant 0.000000e+00 : f32
    %broadcast_in_dim3A_800 = vector.broadcast %jit3A_799 : f32 to vector<16xf32>
    %select_n3A_801 = arith.select %eq3A_798, %add3A_795, %broadcast_in_dim3A_800 : vector<16xi1>, vector<16xf32>
    %add3A_802 = arith.addf %add3A_738, %select_n3A_801 : vector<16xf32>
    %iota3A_803 = tpu.iota {dimensions = array<i32: 0>} : vector<16xi32>
    %xor3A_804 = arith.constant 8 : i32
    %xor3A_805 = vector.broadcast %xor3A_804 : i32 to vector<16xi32>
    %xor3A_806 = arith.xori %iota3A_803, %xor3A_805 : vector<16xi32>
    %lt3A_807 = arith.constant 0 : i32
    %lt3A_808 = vector.broadcast %lt3A_807 : i32 to vector<16xi32>
    %lt3A_809 = arith.cmpi slt, %xor3A_806, %lt3A_808 : vector<16xi32>
    %add3A_810 = arith.constant 16 : i32
    %add3A_811 = vector.broadcast %add3A_810 : i32 to vector<16xi32>
    %add3A_812 = arith.addi %xor3A_806, %add3A_811 : vector<16xi32>
    %select_n3A_813 = arith.select %lt3A_809, %add3A_812, %xor3A_806 : vector<16xi1>, vector<16xi32>
    %broadcast_in_dim3A_814 = vector.shape_cast %select_n3A_813 : vector<16xi32> to vector<16x1xi32>
    %gather3A_815 = vector.shape_cast %broadcast_in_dim3A_814 : vector<16x1xi32> to vector<16xi32>
    %gather3A_816 = tpu.dynamic_gather %scan3A_543#4[%gather3A_815] in [0] : vector<16xf32>, vector<16xi32> -> vector<16xf32>
    %add3A_817 = arith.addf %scan3A_543#4, %gather3A_816 : vector<16xf32>
    %xor3A_818 = arith.constant 4 : i32
    %xor3A_819 = vector.broadcast %xor3A_818 : i32 to vector<16xi32>
    %xor3A_820 = arith.xori %iota3A_803, %xor3A_819 : vector<16xi32>
    %lt3A_821 = arith.constant 0 : i32
    %lt3A_822 = vector.broadcast %lt3A_821 : i32 to vector<16xi32>
    %lt3A_823 = arith.cmpi slt, %xor3A_820, %lt3A_822 : vector<16xi32>
    %add3A_824 = arith.constant 16 : i32
    %add3A_825 = vector.broadcast %add3A_824 : i32 to vector<16xi32>
    %add3A_826 = arith.addi %xor3A_820, %add3A_825 : vector<16xi32>
    %select_n3A_827 = arith.select %lt3A_823, %add3A_826, %xor3A_820 : vector<16xi1>, vector<16xi32>
    %broadcast_in_dim3A_828 = vector.shape_cast %select_n3A_827 : vector<16xi32> to vector<16x1xi32>
    %gather3A_829 = vector.shape_cast %broadcast_in_dim3A_828 : vector<16x1xi32> to vector<16xi32>
    %gather3A_830 = tpu.dynamic_gather %add3A_817[%gather3A_829] in [0] : vector<16xf32>, vector<16xi32> -> vector<16xf32>
    %add3A_831 = arith.addf %add3A_817, %gather3A_830 : vector<16xf32>
    %xor3A_832 = arith.constant 2 : i32
    %xor3A_833 = vector.broadcast %xor3A_832 : i32 to vector<16xi32>
    %xor3A_834 = arith.xori %iota3A_803, %xor3A_833 : vector<16xi32>
    %lt3A_835 = arith.constant 0 : i32
    %lt3A_836 = vector.broadcast %lt3A_835 : i32 to vector<16xi32>
    %lt3A_837 = arith.cmpi slt, %xor3A_834, %lt3A_836 : vector<16xi32>
    %add3A_838 = arith.constant 16 : i32
    %add3A_839 = vector.broadcast %add3A_838 : i32 to vector<16xi32>
    %add3A_840 = arith.addi %xor3A_834, %add3A_839 : vector<16xi32>
    %select_n3A_841 = arith.select %lt3A_837, %add3A_840, %xor3A_834 : vector<16xi1>, vector<16xi32>
    %broadcast_in_dim3A_842 = vector.shape_cast %select_n3A_841 : vector<16xi32> to vector<16x1xi32>
    %gather3A_843 = vector.shape_cast %broadcast_in_dim3A_842 : vector<16x1xi32> to vector<16xi32>
    %gather3A_844 = tpu.dynamic_gather %add3A_831[%gather3A_843] in [0] : vector<16xf32>, vector<16xi32> -> vector<16xf32>
    %add3A_845 = arith.addf %add3A_831, %gather3A_844 : vector<16xf32>
    %xor3A_846 = arith.constant 1 : i32
    %xor3A_847 = vector.broadcast %xor3A_846 : i32 to vector<16xi32>
    %xor3A_848 = arith.xori %iota3A_803, %xor3A_847 : vector<16xi32>
    %lt3A_849 = arith.constant 0 : i32
    %lt3A_850 = vector.broadcast %lt3A_849 : i32 to vector<16xi32>
    %lt3A_851 = arith.cmpi slt, %xor3A_848, %lt3A_850 : vector<16xi32>
    %add3A_852 = arith.constant 16 : i32
    %add3A_853 = vector.broadcast %add3A_852 : i32 to vector<16xi32>
    %add3A_854 = arith.addi %xor3A_848, %add3A_853 : vector<16xi32>
    %select_n3A_855 = arith.select %lt3A_851, %add3A_854, %xor3A_848 : vector<16xi1>, vector<16xi32>
    %broadcast_in_dim3A_856 = vector.shape_cast %select_n3A_855 : vector<16xi32> to vector<16x1xi32>
    %gather3A_857 = vector.shape_cast %broadcast_in_dim3A_856 : vector<16x1xi32> to vector<16xi32>
    %gather3A_858 = tpu.dynamic_gather %add3A_845[%gather3A_857] in [0] : vector<16xf32>, vector<16xi32> -> vector<16xf32>
    %add3A_859 = arith.addf %add3A_845, %gather3A_858 : vector<16xf32>
    %eq3A_860 = arith.constant 12 : i32
    %eq3A_861 = vector.broadcast %eq3A_860 : i32 to vector<16xi32>
    %eq3A_862 = arith.cmpi eq, %iota3A, %eq3A_861 : vector<16xi32>
    %jit3A_863 = arith.constant 0.000000e+00 : f32
    %broadcast_in_dim3A_864 = vector.broadcast %jit3A_863 : f32 to vector<16xf32>
    %select_n3A_865 = arith.select %eq3A_862, %add3A_859, %broadcast_in_dim3A_864 : vector<16xi1>, vector<16xf32>
    %add3A_866 = arith.addf %add3A_802, %select_n3A_865 : vector<16xf32>
    %iota3A_867 = tpu.iota {dimensions = array<i32: 0>} : vector<16xi32>
    %xor3A_868 = arith.constant 8 : i32
    %xor3A_869 = vector.broadcast %xor3A_868 : i32 to vector<16xi32>
    %xor3A_870 = arith.xori %iota3A_867, %xor3A_869 : vector<16xi32>
    %lt3A_871 = arith.constant 0 : i32
    %lt3A_872 = vector.broadcast %lt3A_871 : i32 to vector<16xi32>
    %lt3A_873 = arith.cmpi slt, %xor3A_870, %lt3A_872 : vector<16xi32>
    %add3A_874 = arith.constant 16 : i32
    %add3A_875 = vector.broadcast %add3A_874 : i32 to vector<16xi32>
    %add3A_876 = arith.addi %xor3A_870, %add3A_875 : vector<16xi32>
    %select_n3A_877 = arith.select %lt3A_873, %add3A_876, %xor3A_870 : vector<16xi1>, vector<16xi32>
    %broadcast_in_dim3A_878 = vector.shape_cast %select_n3A_877 : vector<16xi32> to vector<16x1xi32>
    %gather3A_879 = vector.shape_cast %broadcast_in_dim3A_878 : vector<16x1xi32> to vector<16xi32>
    %gather3A_880 = tpu.dynamic_gather %scan3A_543#5[%gather3A_879] in [0] : vector<16xf32>, vector<16xi32> -> vector<16xf32>
    %add3A_881 = arith.addf %scan3A_543#5, %gather3A_880 : vector<16xf32>
    %xor3A_882 = arith.constant 4 : i32
    %xor3A_883 = vector.broadcast %xor3A_882 : i32 to vector<16xi32>
    %xor3A_884 = arith.xori %iota3A_867, %xor3A_883 : vector<16xi32>
    %lt3A_885 = arith.constant 0 : i32
    %lt3A_886 = vector.broadcast %lt3A_885 : i32 to vector<16xi32>
    %lt3A_887 = arith.cmpi slt, %xor3A_884, %lt3A_886 : vector<16xi32>
    %add3A_888 = arith.constant 16 : i32
    %add3A_889 = vector.broadcast %add3A_888 : i32 to vector<16xi32>
    %add3A_890 = arith.addi %xor3A_884, %add3A_889 : vector<16xi32>
    %select_n3A_891 = arith.select %lt3A_887, %add3A_890, %xor3A_884 : vector<16xi1>, vector<16xi32>
    %broadcast_in_dim3A_892 = vector.shape_cast %select_n3A_891 : vector<16xi32> to vector<16x1xi32>
    %gather3A_893 = vector.shape_cast %broadcast_in_dim3A_892 : vector<16x1xi32> to vector<16xi32>
    %gather3A_894 = tpu.dynamic_gather %add3A_881[%gather3A_893] in [0] : vector<16xf32>, vector<16xi32> -> vector<16xf32>
    %add3A_895 = arith.addf %add3A_881, %gather3A_894 : vector<16xf32>
    %xor3A_896 = arith.constant 2 : i32
    %xor3A_897 = vector.broadcast %xor3A_896 : i32 to vector<16xi32>
    %xor3A_898 = arith.xori %iota3A_867, %xor3A_897 : vector<16xi32>
    %lt3A_899 = arith.constant 0 : i32
    %lt3A_900 = vector.broadcast %lt3A_899 : i32 to vector<16xi32>
    %lt3A_901 = arith.cmpi slt, %xor3A_898, %lt3A_900 : vector<16xi32>
    %add3A_902 = arith.constant 16 : i32
    %add3A_903 = vector.broadcast %add3A_902 : i32 to vector<16xi32>
    %add3A_904 = arith.addi %xor3A_898, %add3A_903 : vector<16xi32>
    %select_n3A_905 = arith.select %lt3A_901, %add3A_904, %xor3A_898 : vector<16xi1>, vector<16xi32>
    %broadcast_in_dim3A_906 = vector.shape_cast %select_n3A_905 : vector<16xi32> to vector<16x1xi32>
    %gather3A_907 = vector.shape_cast %broadcast_in_dim3A_906 : vector<16x1xi32> to vector<16xi32>
    %gather3A_908 = tpu.dynamic_gather %add3A_895[%gather3A_907] in [0] : vector<16xf32>, vector<16xi32> -> vector<16xf32>
    %add3A_909 = arith.addf %add3A_895, %gather3A_908 : vector<16xf32>
    %xor3A_910 = arith.constant 1 : i32
    %xor3A_911 = vector.broadcast %xor3A_910 : i32 to vector<16xi32>
    %xor3A_912 = arith.xori %iota3A_867, %xor3A_911 : vector<16xi32>
    %lt3A_913 = arith.constant 0 : i32
    %lt3A_914 = vector.broadcast %lt3A_913 : i32 to vector<16xi32>
    %lt3A_915 = arith.cmpi slt, %xor3A_912, %lt3A_914 : vector<16xi32>
    %add3A_916 = arith.constant 16 : i32
    %add3A_917 = vector.broadcast %add3A_916 : i32 to vector<16xi32>
    %add3A_918 = arith.addi %xor3A_912, %add3A_917 : vector<16xi32>
    %select_n3A_919 = arith.select %lt3A_915, %add3A_918, %xor3A_912 : vector<16xi1>, vector<16xi32>
    %broadcast_in_dim3A_920 = vector.shape_cast %select_n3A_919 : vector<16xi32> to vector<16x1xi32>
    %gather3A_921 = vector.shape_cast %broadcast_in_dim3A_920 : vector<16x1xi32> to vector<16xi32>
    %gather3A_922 = tpu.dynamic_gather %add3A_909[%gather3A_921] in [0] : vector<16xf32>, vector<16xi32> -> vector<16xf32>
    %add3A_923 = arith.addf %add3A_909, %gather3A_922 : vector<16xf32>
    %eq3A_924 = arith.constant 13 : i32
    %eq3A_925 = vector.broadcast %eq3A_924 : i32 to vector<16xi32>
    %eq3A_926 = arith.cmpi eq, %iota3A, %eq3A_925 : vector<16xi32>
    %jit3A_927 = arith.constant 0.000000e+00 : f32
    %broadcast_in_dim3A_928 = vector.broadcast %jit3A_927 : f32 to vector<16xf32>
    %select_n3A_929 = arith.select %eq3A_926, %add3A_923, %broadcast_in_dim3A_928 : vector<16xi1>, vector<16xf32>
    %add3A_930 = arith.addf %add3A_866, %select_n3A_929 : vector<16xf32>
    %iota3A_931 = tpu.iota {dimensions = array<i32: 0>} : vector<16xi32>
    %xor3A_932 = arith.constant 8 : i32
    %xor3A_933 = vector.broadcast %xor3A_932 : i32 to vector<16xi32>
    %xor3A_934 = arith.xori %iota3A_931, %xor3A_933 : vector<16xi32>
    %lt3A_935 = arith.constant 0 : i32
    %lt3A_936 = vector.broadcast %lt3A_935 : i32 to vector<16xi32>
    %lt3A_937 = arith.cmpi slt, %xor3A_934, %lt3A_936 : vector<16xi32>
    %add3A_938 = arith.constant 16 : i32
    %add3A_939 = vector.broadcast %add3A_938 : i32 to vector<16xi32>
    %add3A_940 = arith.addi %xor3A_934, %add3A_939 : vector<16xi32>
    %select_n3A_941 = arith.select %lt3A_937, %add3A_940, %xor3A_934 : vector<16xi1>, vector<16xi32>
    %broadcast_in_dim3A_942 = vector.shape_cast %select_n3A_941 : vector<16xi32> to vector<16x1xi32>
    %gather3A_943 = vector.shape_cast %broadcast_in_dim3A_942 : vector<16x1xi32> to vector<16xi32>
    %gather3A_944 = tpu.dynamic_gather %scan3A_543#6[%gather3A_943] in [0] : vector<16xf32>, vector<16xi32> -> vector<16xf32>
    %add3A_945 = arith.addf %scan3A_543#6, %gather3A_944 : vector<16xf32>
    %xor3A_946 = arith.constant 4 : i32
    %xor3A_947 = vector.broadcast %xor3A_946 : i32 to vector<16xi32>
    %xor3A_948 = arith.xori %iota3A_931, %xor3A_947 : vector<16xi32>
    %lt3A_949 = arith.constant 0 : i32
    %lt3A_950 = vector.broadcast %lt3A_949 : i32 to vector<16xi32>
    %lt3A_951 = arith.cmpi slt, %xor3A_948, %lt3A_950 : vector<16xi32>
    %add3A_952 = arith.constant 16 : i32
    %add3A_953 = vector.broadcast %add3A_952 : i32 to vector<16xi32>
    %add3A_954 = arith.addi %xor3A_948, %add3A_953 : vector<16xi32>
    %select_n3A_955 = arith.select %lt3A_951, %add3A_954, %xor3A_948 : vector<16xi1>, vector<16xi32>
    %broadcast_in_dim3A_956 = vector.shape_cast %select_n3A_955 : vector<16xi32> to vector<16x1xi32>
    %gather3A_957 = vector.shape_cast %broadcast_in_dim3A_956 : vector<16x1xi32> to vector<16xi32>
    %gather3A_958 = tpu.dynamic_gather %add3A_945[%gather3A_957] in [0] : vector<16xf32>, vector<16xi32> -> vector<16xf32>
    %add3A_959 = arith.addf %add3A_945, %gather3A_958 : vector<16xf32>
    %xor3A_960 = arith.constant 2 : i32
    %xor3A_961 = vector.broadcast %xor3A_960 : i32 to vector<16xi32>
    %xor3A_962 = arith.xori %iota3A_931, %xor3A_961 : vector<16xi32>
    %lt3A_963 = arith.constant 0 : i32
    %lt3A_964 = vector.broadcast %lt3A_963 : i32 to vector<16xi32>
    %lt3A_965 = arith.cmpi slt, %xor3A_962, %lt3A_964 : vector<16xi32>
    %add3A_966 = arith.constant 16 : i32
    %add3A_967 = vector.broadcast %add3A_966 : i32 to vector<16xi32>
    %add3A_968 = arith.addi %xor3A_962, %add3A_967 : vector<16xi32>
    %select_n3A_969 = arith.select %lt3A_965, %add3A_968, %xor3A_962 : vector<16xi1>, vector<16xi32>
    %broadcast_in_dim3A_970 = vector.shape_cast %select_n3A_969 : vector<16xi32> to vector<16x1xi32>
    %gather3A_971 = vector.shape_cast %broadcast_in_dim3A_970 : vector<16x1xi32> to vector<16xi32>
    %gather3A_972 = tpu.dynamic_gather %add3A_959[%gather3A_971] in [0] : vector<16xf32>, vector<16xi32> -> vector<16xf32>
    %add3A_973 = arith.addf %add3A_959, %gather3A_972 : vector<16xf32>
    %xor3A_974 = arith.constant 1 : i32
    %xor3A_975 = vector.broadcast %xor3A_974 : i32 to vector<16xi32>
    %xor3A_976 = arith.xori %iota3A_931, %xor3A_975 : vector<16xi32>
    %lt3A_977 = arith.constant 0 : i32
    %lt3A_978 = vector.broadcast %lt3A_977 : i32 to vector<16xi32>
    %lt3A_979 = arith.cmpi slt, %xor3A_976, %lt3A_978 : vector<16xi32>
    %add3A_980 = arith.constant 16 : i32
    %add3A_981 = vector.broadcast %add3A_980 : i32 to vector<16xi32>
    %add3A_982 = arith.addi %xor3A_976, %add3A_981 : vector<16xi32>
    %select_n3A_983 = arith.select %lt3A_979, %add3A_982, %xor3A_976 : vector<16xi1>, vector<16xi32>
    %broadcast_in_dim3A_984 = vector.shape_cast %select_n3A_983 : vector<16xi32> to vector<16x1xi32>
    %gather3A_985 = vector.shape_cast %broadcast_in_dim3A_984 : vector<16x1xi32> to vector<16xi32>
    %gather3A_986 = tpu.dynamic_gather %add3A_973[%gather3A_985] in [0] : vector<16xf32>, vector<16xi32> -> vector<16xf32>
    %add3A_987 = arith.addf %add3A_973, %gather3A_986 : vector<16xf32>
    %eq3A_988 = arith.constant 14 : i32
    %eq3A_989 = vector.broadcast %eq3A_988 : i32 to vector<16xi32>
    %eq3A_990 = arith.cmpi eq, %iota3A, %eq3A_989 : vector<16xi32>
    %jit3A_991 = arith.constant 0.000000e+00 : f32
    %broadcast_in_dim3A_992 = vector.broadcast %jit3A_991 : f32 to vector<16xf32>
    %select_n3A_993 = arith.select %eq3A_990, %add3A_987, %broadcast_in_dim3A_992 : vector<16xi1>, vector<16xf32>
    %add3A_994 = arith.addf %add3A_930, %select_n3A_993 : vector<16xf32>
    %iota3A_995 = tpu.iota {dimensions = array<i32: 0>} : vector<16xi32>
    %xor3A_996 = arith.constant 8 : i32
    %xor3A_997 = vector.broadcast %xor3A_996 : i32 to vector<16xi32>
    %xor3A_998 = arith.xori %iota3A_995, %xor3A_997 : vector<16xi32>
    %lt3A_999 = arith.constant 0 : i32
    %lt3A_1000 = vector.broadcast %lt3A_999 : i32 to vector<16xi32>
    %lt3A_1001 = arith.cmpi slt, %xor3A_998, %lt3A_1000 : vector<16xi32>
    %add3A_1002 = arith.constant 16 : i32
    %add3A_1003 = vector.broadcast %add3A_1002 : i32 to vector<16xi32>
    %add3A_1004 = arith.addi %xor3A_998, %add3A_1003 : vector<16xi32>
    %select_n3A_1005 = arith.select %lt3A_1001, %add3A_1004, %xor3A_998 : vector<16xi1>, vector<16xi32>
    %broadcast_in_dim3A_1006 = vector.shape_cast %select_n3A_1005 : vector<16xi32> to vector<16x1xi32>
    %gather3A_1007 = vector.shape_cast %broadcast_in_dim3A_1006 : vector<16x1xi32> to vector<16xi32>
    %gather3A_1008 = tpu.dynamic_gather %scan3A_543#7[%gather3A_1007] in [0] : vector<16xf32>, vector<16xi32> -> vector<16xf32>
    %add3A_1009 = arith.addf %scan3A_543#7, %gather3A_1008 : vector<16xf32>
    %xor3A_1010 = arith.constant 4 : i32
    %xor3A_1011 = vector.broadcast %xor3A_1010 : i32 to vector<16xi32>
    %xor3A_1012 = arith.xori %iota3A_995, %xor3A_1011 : vector<16xi32>
    %lt3A_1013 = arith.constant 0 : i32
    %lt3A_1014 = vector.broadcast %lt3A_1013 : i32 to vector<16xi32>
    %lt3A_1015 = arith.cmpi slt, %xor3A_1012, %lt3A_1014 : vector<16xi32>
    %add3A_1016 = arith.constant 16 : i32
    %add3A_1017 = vector.broadcast %add3A_1016 : i32 to vector<16xi32>
    %add3A_1018 = arith.addi %xor3A_1012, %add3A_1017 : vector<16xi32>
    %select_n3A_1019 = arith.select %lt3A_1015, %add3A_1018, %xor3A_1012 : vector<16xi1>, vector<16xi32>
    %broadcast_in_dim3A_1020 = vector.shape_cast %select_n3A_1019 : vector<16xi32> to vector<16x1xi32>
    %gather3A_1021 = vector.shape_cast %broadcast_in_dim3A_1020 : vector<16x1xi32> to vector<16xi32>
    %gather3A_1022 = tpu.dynamic_gather %add3A_1009[%gather3A_1021] in [0] : vector<16xf32>, vector<16xi32> -> vector<16xf32>
    %add3A_1023 = arith.addf %add3A_1009, %gather3A_1022 : vector<16xf32>
    %xor3A_1024 = arith.constant 2 : i32
    %xor3A_1025 = vector.broadcast %xor3A_1024 : i32 to vector<16xi32>
    %xor3A_1026 = arith.xori %iota3A_995, %xor3A_1025 : vector<16xi32>
    %lt3A_1027 = arith.constant 0 : i32
    %lt3A_1028 = vector.broadcast %lt3A_1027 : i32 to vector<16xi32>
    %lt3A_1029 = arith.cmpi slt, %xor3A_1026, %lt3A_1028 : vector<16xi32>
    %add3A_1030 = arith.constant 16 : i32
    %add3A_1031 = vector.broadcast %add3A_1030 : i32 to vector<16xi32>
    %add3A_1032 = arith.addi %xor3A_1026, %add3A_1031 : vector<16xi32>
    %select_n3A_1033 = arith.select %lt3A_1029, %add3A_1032, %xor3A_1026 : vector<16xi1>, vector<16xi32>
    %broadcast_in_dim3A_1034 = vector.shape_cast %select_n3A_1033 : vector<16xi32> to vector<16x1xi32>
    %gather3A_1035 = vector.shape_cast %broadcast_in_dim3A_1034 : vector<16x1xi32> to vector<16xi32>
    %gather3A_1036 = tpu.dynamic_gather %add3A_1023[%gather3A_1035] in [0] : vector<16xf32>, vector<16xi32> -> vector<16xf32>
    %add3A_1037 = arith.addf %add3A_1023, %gather3A_1036 : vector<16xf32>
    %xor3A_1038 = arith.constant 1 : i32
    %xor3A_1039 = vector.broadcast %xor3A_1038 : i32 to vector<16xi32>
    %xor3A_1040 = arith.xori %iota3A_995, %xor3A_1039 : vector<16xi32>
    %lt3A_1041 = arith.constant 0 : i32
    %lt3A_1042 = vector.broadcast %lt3A_1041 : i32 to vector<16xi32>
    %lt3A_1043 = arith.cmpi slt, %xor3A_1040, %lt3A_1042 : vector<16xi32>
    %add3A_1044 = arith.constant 16 : i32
    %add3A_1045 = vector.broadcast %add3A_1044 : i32 to vector<16xi32>
    %add3A_1046 = arith.addi %xor3A_1040, %add3A_1045 : vector<16xi32>
    %select_n3A_1047 = arith.select %lt3A_1043, %add3A_1046, %xor3A_1040 : vector<16xi1>, vector<16xi32>
    %broadcast_in_dim3A_1048 = vector.shape_cast %select_n3A_1047 : vector<16xi32> to vector<16x1xi32>
    %gather3A_1049 = vector.shape_cast %broadcast_in_dim3A_1048 : vector<16x1xi32> to vector<16xi32>
    %gather3A_1050 = tpu.dynamic_gather %add3A_1037[%gather3A_1049] in [0] : vector<16xf32>, vector<16xi32> -> vector<16xf32>
    %add3A_1051 = arith.addf %add3A_1037, %gather3A_1050 : vector<16xf32>
    %eq3A_1052 = arith.constant 15 : i32
    %eq3A_1053 = vector.broadcast %eq3A_1052 : i32 to vector<16xi32>
    %eq3A_1054 = arith.cmpi eq, %iota3A, %eq3A_1053 : vector<16xi32>
    %jit3A_1055 = arith.constant 0.000000e+00 : f32
    %broadcast_in_dim3A_1056 = vector.broadcast %jit3A_1055 : f32 to vector<16xf32>
    %select_n3A_1057 = arith.select %eq3A_1054, %add3A_1051, %broadcast_in_dim3A_1056 : vector<16xi1>, vector<16xf32>
    %add3A_1058 = arith.addf %add3A_994, %select_n3A_1057 : vector<16xf32>
    %add3A_1059 = arith.addf %add3A_532, %add3A_1058 : vector<16xf32>
    %get3A = arith.constant 0 : index
    %get3A_1060 = tpu.vector_load %arg10[%get3A] {strides = array<i32>} : memref<16xf32, #tpu.memory_space<vmem>>, vector<16xf32>,
    %get3A_1061 = vector.shape_cast %get3A_1060 : vector<16xf32> to vector<16xf32>
    %add3A_1062 = arith.addf %add3A_1059, %get3A_1061 : vector<16xf32>
    %swap3A = arith.constant 0 : index
    %swap3A_1063 = tpu.vector_load %arg9[%swap3A] {strides = array<i32>} : memref<16xf32, #tpu.memory_space<vmem>>, vector<16xf32>,
    %swap3A_1064 = vector.shape_cast %swap3A_1063 : vector<16xf32> to vector<16xf32>
    %swap3A_1065 = vector.shape_cast %add3A_1062 : vector<16xf32> to vector<16xf32>
    tpu.vector_store %arg9[%swap3A], %swap3A_1065 {strides = array<i32>} : memref<16xf32, #tpu.memory_space<vmem>>, vector<16xf32>,
    %run_scoped3A_1066 = arith.constant 0 : i32
    "tpu.region"() ({
      %run_scoped3A_1067 = tpu.sem_alloc : memref<!tpu.dma_semaphore, #tpu.memory_space<semaphore_mem>>
      %dma_start3A_1068 = tpu.memref_slice %arg5[%run_scoped3A_1066, %mul3A_6] : memref<1x512xf32, #tpu.memory_space<hbm>> -> memref<1x16xf32, #tpu.memory_space<hbm>>
      %dma_start3A_1069 = tpu.memref_squeeze %dma_start3A_1068 : memref<1x16xf32, #tpu.memory_space<hbm>> -> memref<16xf32, #tpu.memory_space<hbm>>
      %dma_start3A_1070 = tpu.memref_slice %arg5[%run_scoped3A_1066, %mul3A_6] : memref<1x512xf32, #tpu.memory_space<hbm>> -> memref<1x16xf32, #tpu.memory_space<hbm>>
      %dma_start3A_1071 = tpu.memref_squeeze %dma_start3A_1070 : memref<1x16xf32, #tpu.memory_space<hbm>> -> memref<16xf32, #tpu.memory_space<hbm>>
      tpu.enqueue_dma source(%arg9 : memref<16xf32, #tpu.memory_space<vmem>>) target(%dma_start3A_1071 : memref<16xf32, #tpu.memory_space<hbm>>) target_semaphore(%run_scoped3A_1067 : memref<!tpu.dma_semaphore, #tpu.memory_space<semaphore_mem>>)
      %dma_wait3A_1072 = tpu.memref_slice %arg5[%run_scoped3A_1066, %mul3A_6] : memref<1x512xf32, #tpu.memory_space<hbm>> -> memref<1x16xf32, #tpu.memory_space<hbm>>
      %dma_wait3A_1073 = tpu.memref_squeeze %dma_wait3A_1072 : memref<1x16xf32, #tpu.memory_space<hbm>> -> memref<16xf32, #tpu.memory_space<hbm>>
      %dma_wait3A_1074 = tpu.memref_slice %arg5[%run_scoped3A_1066, %mul3A_6] : memref<1x512xf32, #tpu.memory_space<hbm>> -> memref<1x16xf32, #tpu.memory_space<hbm>>
      %dma_wait3A_1075 = tpu.memref_squeeze %dma_wait3A_1074 : memref<1x16xf32, #tpu.memory_space<hbm>> -> memref<16xf32, #tpu.memory_space<hbm>>
      tpu.wait_dma2 semaphore(%run_scoped3A_1067 : memref<!tpu.dma_semaphore, #tpu.memory_space<semaphore_mem>>) src(%arg9 : memref<16xf32, #tpu.memory_space<vmem>>) dst(%dma_wait3A_1075 : memref<16xf32, #tpu.memory_space<hbm>>)
      tpu.yield
    }) : () -> ()
    return
  }
}

module attributes {stable_mosaic.version = 14 : i64} {
  func.func @_mm_body(%arg0: i32, %arg1: memref<1x4096xf32, #tpu.memory_space<vmem>>, %arg2: memref<512x4096xf32, #tpu.memory_space<vmem>>, %arg3: memref<1x512xf32, #tpu.memory_space<vmem>>, %arg4: memref<1x512xf32, #tpu.memory_space<vmem>>) attributes {dimension_semantics = [#tpu.dimension_semantics<arbitrary>], iteration_bounds = array<i64: 7>, scalar_prefetch = 0 : i64, scratch_operands = 0 : i64, tpu.core_type = #tpu.core_type<tc>, window_params = [{pipeline_mode = #tpu.pipeline_mode<synchronous>, transform_indices = @transform_0, window_bounds = array<i64: 1, 4096>}, {transform_indices = @transform_1, window_bounds = array<i64: 512, 4096>}, {transform_indices = @transform_2, window_bounds = array<i64: 1, 512>}, {transform_indices = @transform_3, window_bounds = array<i64: 1, 512>}]} {
    %get3A = arith.constant 0 : index
    %get3A_0 = arith.constant 0 : index
    %get3A_1 = vector.load %arg1[%get3A, %get3A_0] : memref<1x4096xf32, #tpu.memory_space<vmem>>, vector<1x4096xf32>
    %get3A_2 = arith.constant 0 : index
    %get3A_3 = arith.constant 0 : index
    %get3A_4 = vector.load %arg2[%get3A_2, %get3A_3] : memref<512x4096xf32, #tpu.memory_space<vmem>>, vector<512x4096xf32>
    %dot_general3A = arith.constant dense<0.000000e+00> : vector<1x512xf32>
    %dot_general3A_5 = tpu.matmul %get3A_1, %get3A_4, %dot_general3A {dimension_numbers = #tpu.dot_dimension_numbers<[1], [1], [0], [0], [0, 0, 1, 0], [], []>, transpose_lhs_hint = false} : vector<1x4096xf32>, vector<512x4096xf32>, vector<1x512xf32> -> vector<1x512xf32>
    %get3A_6 = arith.constant 0 : index
    %get3A_7 = arith.constant 0 : index
    %get3A_8 = vector.load %arg3[%get3A_6, %get3A_7] : memref<1x512xf32, #tpu.memory_space<vmem>>, vector<1x512xf32>
    %add3A = arith.addf %dot_general3A_5, %get3A_8 : vector<1x512xf32>
    %swap3A = arith.constant 0 : index
    %swap3A_9 = arith.constant 0 : index
    %swap3A_10 = vector.load %arg4[%swap3A, %swap3A_9] : memref<1x512xf32, #tpu.memory_space<vmem>>, vector<1x512xf32>
    tpu.vector_store %arg4[%swap3A, %swap3A_9], %add3A {strides = array<i32>} : memref<1x512xf32, #tpu.memory_space<vmem>>, vector<1x512xf32>,
    return
  }
  func.func @transform_0(%arg0: i32) -> (i32, i32) {
    %c0_i32 = arith.constant 0 : i32
    %c0_i32_0 = arith.constant 0 : i32
    %c0_i32_1 = arith.constant 0 : i32
    return %c0_i32, %c0_i32_0 : i32, i32
  }
  func.func @transform_1(%arg0: i32) -> (i32, i32) {
    %c0_i32 = arith.constant 0 : i32
    %c0_i32_0 = arith.constant 0 : i32
    return %arg0, %c0_i32 : i32, i32
  }
  func.func @transform_2(%arg0: i32) -> (i32, i32) {
    %c0_i32 = arith.constant 0 : i32
    %c0_i32_0 = arith.constant 0 : i32
    return %c0_i32, %arg0 : i32, i32
  }
  func.func @transform_3(%arg0: i32) -> (i32, i32) {
    %c0_i32 = arith.constant 0 : i32
    %c0_i32_0 = arith.constant 0 : i32
    return %c0_i32, %arg0 : i32, i32
  }
}

module attributes {stable_mosaic.version = 14 : i64} {
  func.func @_select_body(%arg0: memref<1x4096xf32, #tpu.memory_space<vmem>>, %arg1: memref<1x4096xf32, #tpu.memory_space<vmem>>) attributes {dimension_semantics = [], scalar_prefetch = 0 : i64, scratch_operands = 0 : i64, tpu.core_type = #tpu.core_type<tc>} {
    %get3A = arith.constant 0 : index
    %get3A_0 = arith.constant 0 : index
    %get3A_1 = vector.load %arg0[%get3A, %get3A_0] : memref<1x4096xf32, #tpu.memory_space<vmem>>, vector<1x4096xf32>
    %abs3A = math.absf %get3A_1 : vector<1x4096xf32>
    %bitcast_convert_type3A = tpu.bitcast %abs3A : vector<1x4096xf32> -> vector<1x4096xi32>
    %iota3A = tpu.iota {dimensions = array<i32: 0>} : vector<16x1xi32>
    %shift_left3A = arith.constant 28 : i32
    %shift_left3A_2 = vector.broadcast %shift_left3A : i32 to vector<16x1xi32>
    %shift_left3A_3 = arith.shli %iota3A, %shift_left3A_2 : vector<16x1xi32>
    %add3A = arith.constant 0 : i32
    %add3A_4 = vector.broadcast %add3A : i32 to vector<16x1xi32>
    %add3A_5 = arith.addi %add3A_4, %shift_left3A_3 : vector<16x1xi32>
    %ge3A = vector.broadcast %bitcast_convert_type3A : vector<1x4096xi32> to vector<16x4096xi32>
    %ge3A_6 = vector.broadcast %add3A_5 : vector<16x1xi32> to vector<16x4096xi32>
    %ge3A_7 = arith.cmpi sge, %ge3A, %ge3A_6 : vector<16x4096xi32>
    %convert_element_type3A = arith.extui %ge3A_7 : vector<16x4096xi1> to vector<16x4096xi32>
    %reduce_sum3A = arith.constant dense<0> : vector<16xi32>
    %reduce_sum3A_8 = vector.multi_reduction <add>, %convert_element_type3A, %reduce_sum3A [1] : vector<16x4096xi32> to vector<16xi32>
    %broadcast_in_dim3A = vector.shape_cast %reduce_sum3A_8 : vector<16xi32> to vector<16x1xi32>
    %ge3A_9 = arith.constant 1228 : i32
    %ge3A_10 = vector.broadcast %ge3A_9 : i32 to vector<16x1xi32>
    %ge3A_11 = arith.cmpi sge, %broadcast_in_dim3A, %ge3A_10 : vector<16x1xi32>
    %ge3A_12 = arith.constant 0 : i32
    %ge3A_13 = vector.broadcast %ge3A_12 : i32 to vector<16x1xi32>
    %ge3A_14 = arith.cmpi sge, %add3A_5, %ge3A_13 : vector<16x1xi32>
    %and3A = arith.andi %ge3A_11, %ge3A_14 : vector<16x1xi1>
    %convert_element_type3A_15 = arith.extui %and3A : vector<16x1xi1> to vector<16x1xi32>
    %reduce_sum3A_16 = vector.shape_cast %convert_element_type3A_15 : vector<16x1xi32> to vector<1x16x1xi32>
    %reduce_sum3A_17 = arith.constant dense<0> : vector<1xi32>
    %reduce_sum3A_18 = vector.multi_reduction <add>, %reduce_sum3A_16, %reduce_sum3A_17 [1, 2] : vector<1x16x1xi32> to vector<1xi32>
    %reduce_sum3A_19 = vector.shape_cast %reduce_sum3A_18 : vector<1xi32> to vector<1x1x1xi32>
    %reduce_sum3A_20 = vector.extract %reduce_sum3A_19[0, 0, 0] : i32 from vector<1x1x1xi32>
    %sub3A = arith.constant 1 : i32
    %sub3A_21 = arith.subi %reduce_sum3A_20, %sub3A : i32
    %shift_left3A_22 = arith.constant 28 : i32
    %shift_left3A_23 = arith.shli %sub3A_21, %shift_left3A_22 : i32
    %add3A_24 = arith.constant 0 : i32
    %add3A_25 = arith.addi %add3A_24, %shift_left3A_23 : i32
    %shift_left3A_26 = arith.constant 24 : i32
    %shift_left3A_27 = vector.broadcast %shift_left3A_26 : i32 to vector<16x1xi32>
    %shift_left3A_28 = arith.shli %iota3A, %shift_left3A_27 : vector<16x1xi32>
    %add3A_29 = vector.broadcast %add3A_25 : i32 to vector<16x1xi32>
    %add3A_30 = arith.addi %add3A_29, %shift_left3A_28 : vector<16x1xi32>
    %ge3A_31 = vector.broadcast %bitcast_convert_type3A : vector<1x4096xi32> to vector<16x4096xi32>
    %ge3A_32 = vector.broadcast %add3A_30 : vector<16x1xi32> to vector<16x4096xi32>
    %ge3A_33 = arith.cmpi sge, %ge3A_31, %ge3A_32 : vector<16x4096xi32>
    %convert_element_type3A_34 = arith.extui %ge3A_33 : vector<16x4096xi1> to vector<16x4096xi32>
    %reduce_sum3A_35 = arith.constant dense<0> : vector<16xi32>
    %reduce_sum3A_36 = vector.multi_reduction <add>, %convert_element_type3A_34, %reduce_sum3A_35 [1] : vector<16x4096xi32> to vector<16xi32>
    %broadcast_in_dim3A_37 = vector.shape_cast %reduce_sum3A_36 : vector<16xi32> to vector<16x1xi32>
    %ge3A_38 = arith.constant 1228 : i32
    %ge3A_39 = vector.broadcast %ge3A_38 : i32 to vector<16x1xi32>
    %ge3A_40 = arith.cmpi sge, %broadcast_in_dim3A_37, %ge3A_39 : vector<16x1xi32>
    %ge3A_41 = arith.constant 0 : i32
    %ge3A_42 = vector.broadcast %ge3A_41 : i32 to vector<16x1xi32>
    %ge3A_43 = arith.cmpi sge, %add3A_30, %ge3A_42 : vector<16x1xi32>
    %and3A_44 = arith.andi %ge3A_40, %ge3A_43 : vector<16x1xi1>
    %convert_element_type3A_45 = arith.extui %and3A_44 : vector<16x1xi1> to vector<16x1xi32>
    %reduce_sum3A_46 = vector.shape_cast %convert_element_type3A_45 : vector<16x1xi32> to vector<1x16x1xi32>
    %reduce_sum3A_47 = arith.constant dense<0> : vector<1xi32>
    %reduce_sum3A_48 = vector.multi_reduction <add>, %reduce_sum3A_46, %reduce_sum3A_47 [1, 2] : vector<1x16x1xi32> to vector<1xi32>
    %reduce_sum3A_49 = vector.shape_cast %reduce_sum3A_48 : vector<1xi32> to vector<1x1x1xi32>
    %reduce_sum3A_50 = vector.extract %reduce_sum3A_49[0, 0, 0] : i32 from vector<1x1x1xi32>
    %sub3A_51 = arith.constant 1 : i32
    %sub3A_52 = arith.subi %reduce_sum3A_50, %sub3A_51 : i32
    %shift_left3A_53 = arith.constant 24 : i32
    %shift_left3A_54 = arith.shli %sub3A_52, %shift_left3A_53 : i32
    %add3A_55 = arith.addi %add3A_25, %shift_left3A_54 : i32
    %shift_left3A_56 = arith.constant 20 : i32
    %shift_left3A_57 = vector.broadcast %shift_left3A_56 : i32 to vector<16x1xi32>
    %shift_left3A_58 = arith.shli %iota3A, %shift_left3A_57 : vector<16x1xi32>
    %add3A_59 = vector.broadcast %add3A_55 : i32 to vector<16x1xi32>
    %add3A_60 = arith.addi %add3A_59, %shift_left3A_58 : vector<16x1xi32>
    %ge3A_61 = vector.broadcast %bitcast_convert_type3A : vector<1x4096xi32> to vector<16x4096xi32>
    %ge3A_62 = vector.broadcast %add3A_60 : vector<16x1xi32> to vector<16x4096xi32>
    %ge3A_63 = arith.cmpi sge, %ge3A_61, %ge3A_62 : vector<16x4096xi32>
    %convert_element_type3A_64 = arith.extui %ge3A_63 : vector<16x4096xi1> to vector<16x4096xi32>
    %reduce_sum3A_65 = arith.constant dense<0> : vector<16xi32>
    %reduce_sum3A_66 = vector.multi_reduction <add>, %convert_element_type3A_64, %reduce_sum3A_65 [1] : vector<16x4096xi32> to vector<16xi32>
    %broadcast_in_dim3A_67 = vector.shape_cast %reduce_sum3A_66 : vector<16xi32> to vector<16x1xi32>
    %ge3A_68 = arith.constant 1228 : i32
    %ge3A_69 = vector.broadcast %ge3A_68 : i32 to vector<16x1xi32>
    %ge3A_70 = arith.cmpi sge, %broadcast_in_dim3A_67, %ge3A_69 : vector<16x1xi32>
    %ge3A_71 = arith.constant 0 : i32
    %ge3A_72 = vector.broadcast %ge3A_71 : i32 to vector<16x1xi32>
    %ge3A_73 = arith.cmpi sge, %add3A_60, %ge3A_72 : vector<16x1xi32>
    %and3A_74 = arith.andi %ge3A_70, %ge3A_73 : vector<16x1xi1>
    %convert_element_type3A_75 = arith.extui %and3A_74 : vector<16x1xi1> to vector<16x1xi32>
    %reduce_sum3A_76 = vector.shape_cast %convert_element_type3A_75 : vector<16x1xi32> to vector<1x16x1xi32>
    %reduce_sum3A_77 = arith.constant dense<0> : vector<1xi32>
    %reduce_sum3A_78 = vector.multi_reduction <add>, %reduce_sum3A_76, %reduce_sum3A_77 [1, 2] : vector<1x16x1xi32> to vector<1xi32>
    %reduce_sum3A_79 = vector.shape_cast %reduce_sum3A_78 : vector<1xi32> to vector<1x1x1xi32>
    %reduce_sum3A_80 = vector.extract %reduce_sum3A_79[0, 0, 0] : i32 from vector<1x1x1xi32>
    %sub3A_81 = arith.constant 1 : i32
    %sub3A_82 = arith.subi %reduce_sum3A_80, %sub3A_81 : i32
    %shift_left3A_83 = arith.constant 20 : i32
    %shift_left3A_84 = arith.shli %sub3A_82, %shift_left3A_83 : i32
    %add3A_85 = arith.addi %add3A_55, %shift_left3A_84 : i32
    %shift_left3A_86 = arith.constant 16 : i32
    %shift_left3A_87 = vector.broadcast %shift_left3A_86 : i32 to vector<16x1xi32>
    %shift_left3A_88 = arith.shli %iota3A, %shift_left3A_87 : vector<16x1xi32>
    %add3A_89 = vector.broadcast %add3A_85 : i32 to vector<16x1xi32>
    %add3A_90 = arith.addi %add3A_89, %shift_left3A_88 : vector<16x1xi32>
    %ge3A_91 = vector.broadcast %bitcast_convert_type3A : vector<1x4096xi32> to vector<16x4096xi32>
    %ge3A_92 = vector.broadcast %add3A_90 : vector<16x1xi32> to vector<16x4096xi32>
    %ge3A_93 = arith.cmpi sge, %ge3A_91, %ge3A_92 : vector<16x4096xi32>
    %convert_element_type3A_94 = arith.extui %ge3A_93 : vector<16x4096xi1> to vector<16x4096xi32>
    %reduce_sum3A_95 = arith.constant dense<0> : vector<16xi32>
    %reduce_sum3A_96 = vector.multi_reduction <add>, %convert_element_type3A_94, %reduce_sum3A_95 [1] : vector<16x4096xi32> to vector<16xi32>
    %broadcast_in_dim3A_97 = vector.shape_cast %reduce_sum3A_96 : vector<16xi32> to vector<16x1xi32>
    %ge3A_98 = arith.constant 1228 : i32
    %ge3A_99 = vector.broadcast %ge3A_98 : i32 to vector<16x1xi32>
    %ge3A_100 = arith.cmpi sge, %broadcast_in_dim3A_97, %ge3A_99 : vector<16x1xi32>
    %ge3A_101 = arith.constant 0 : i32
    %ge3A_102 = vector.broadcast %ge3A_101 : i32 to vector<16x1xi32>
    %ge3A_103 = arith.cmpi sge, %add3A_90, %ge3A_102 : vector<16x1xi32>
    %and3A_104 = arith.andi %ge3A_100, %ge3A_103 : vector<16x1xi1>
    %convert_element_type3A_105 = arith.extui %and3A_104 : vector<16x1xi1> to vector<16x1xi32>
    %reduce_sum3A_106 = vector.shape_cast %convert_element_type3A_105 : vector<16x1xi32> to vector<1x16x1xi32>
    %reduce_sum3A_107 = arith.constant dense<0> : vector<1xi32>
    %reduce_sum3A_108 = vector.multi_reduction <add>, %reduce_sum3A_106, %reduce_sum3A_107 [1, 2] : vector<1x16x1xi32> to vector<1xi32>
    %reduce_sum3A_109 = vector.shape_cast %reduce_sum3A_108 : vector<1xi32> to vector<1x1x1xi32>
    %reduce_sum3A_110 = vector.extract %reduce_sum3A_109[0, 0, 0] : i32 from vector<1x1x1xi32>
    %sub3A_111 = arith.constant 1 : i32
    %sub3A_112 = arith.subi %reduce_sum3A_110, %sub3A_111 : i32
    %shift_left3A_113 = arith.constant 16 : i32
    %shift_left3A_114 = arith.shli %sub3A_112, %shift_left3A_113 : i32
    %add3A_115 = arith.addi %add3A_85, %shift_left3A_114 : i32
    %shift_left3A_116 = arith.constant 12 : i32
    %shift_left3A_117 = vector.broadcast %shift_left3A_116 : i32 to vector<16x1xi32>
    %shift_left3A_118 = arith.shli %iota3A, %shift_left3A_117 : vector<16x1xi32>
    %add3A_119 = vector.broadcast %add3A_115 : i32 to vector<16x1xi32>
    %add3A_120 = arith.addi %add3A_119, %shift_left3A_118 : vector<16x1xi32>
    %ge3A_121 = vector.broadcast %bitcast_convert_type3A : vector<1x4096xi32> to vector<16x4096xi32>
    %ge3A_122 = vector.broadcast %add3A_120 : vector<16x1xi32> to vector<16x4096xi32>
    %ge3A_123 = arith.cmpi sge, %ge3A_121, %ge3A_122 : vector<16x4096xi32>
    %convert_element_type3A_124 = arith.extui %ge3A_123 : vector<16x4096xi1> to vector<16x4096xi32>
    %reduce_sum3A_125 = arith.constant dense<0> : vector<16xi32>
    %reduce_sum3A_126 = vector.multi_reduction <add>, %convert_element_type3A_124, %reduce_sum3A_125 [1] : vector<16x4096xi32> to vector<16xi32>
    %broadcast_in_dim3A_127 = vector.shape_cast %reduce_sum3A_126 : vector<16xi32> to vector<16x1xi32>
    %ge3A_128 = arith.constant 1228 : i32
    %ge3A_129 = vector.broadcast %ge3A_128 : i32 to vector<16x1xi32>
    %ge3A_130 = arith.cmpi sge, %broadcast_in_dim3A_127, %ge3A_129 : vector<16x1xi32>
    %ge3A_131 = arith.constant 0 : i32
    %ge3A_132 = vector.broadcast %ge3A_131 : i32 to vector<16x1xi32>
    %ge3A_133 = arith.cmpi sge, %add3A_120, %ge3A_132 : vector<16x1xi32>
    %and3A_134 = arith.andi %ge3A_130, %ge3A_133 : vector<16x1xi1>
    %convert_element_type3A_135 = arith.extui %and3A_134 : vector<16x1xi1> to vector<16x1xi32>
    %reduce_sum3A_136 = vector.shape_cast %convert_element_type3A_135 : vector<16x1xi32> to vector<1x16x1xi32>
    %reduce_sum3A_137 = arith.constant dense<0> : vector<1xi32>
    %reduce_sum3A_138 = vector.multi_reduction <add>, %reduce_sum3A_136, %reduce_sum3A_137 [1, 2] : vector<1x16x1xi32> to vector<1xi32>
    %reduce_sum3A_139 = vector.shape_cast %reduce_sum3A_138 : vector<1xi32> to vector<1x1x1xi32>
    %reduce_sum3A_140 = vector.extract %reduce_sum3A_139[0, 0, 0] : i32 from vector<1x1x1xi32>
    %sub3A_141 = arith.constant 1 : i32
    %sub3A_142 = arith.subi %reduce_sum3A_140, %sub3A_141 : i32
    %shift_left3A_143 = arith.constant 12 : i32
    %shift_left3A_144 = arith.shli %sub3A_142, %shift_left3A_143 : i32
    %add3A_145 = arith.addi %add3A_115, %shift_left3A_144 : i32
    %shift_left3A_146 = arith.constant 8 : i32
    %shift_left3A_147 = vector.broadcast %shift_left3A_146 : i32 to vector<16x1xi32>
    %shift_left3A_148 = arith.shli %iota3A, %shift_left3A_147 : vector<16x1xi32>
    %add3A_149 = vector.broadcast %add3A_145 : i32 to vector<16x1xi32>
    %add3A_150 = arith.addi %add3A_149, %shift_left3A_148 : vector<16x1xi32>
    %ge3A_151 = vector.broadcast %bitcast_convert_type3A : vector<1x4096xi32> to vector<16x4096xi32>
    %ge3A_152 = vector.broadcast %add3A_150 : vector<16x1xi32> to vector<16x4096xi32>
    %ge3A_153 = arith.cmpi sge, %ge3A_151, %ge3A_152 : vector<16x4096xi32>
    %convert_element_type3A_154 = arith.extui %ge3A_153 : vector<16x4096xi1> to vector<16x4096xi32>
    %reduce_sum3A_155 = arith.constant dense<0> : vector<16xi32>
    %reduce_sum3A_156 = vector.multi_reduction <add>, %convert_element_type3A_154, %reduce_sum3A_155 [1] : vector<16x4096xi32> to vector<16xi32>
    %broadcast_in_dim3A_157 = vector.shape_cast %reduce_sum3A_156 : vector<16xi32> to vector<16x1xi32>
    %ge3A_158 = arith.constant 1228 : i32
    %ge3A_159 = vector.broadcast %ge3A_158 : i32 to vector<16x1xi32>
    %ge3A_160 = arith.cmpi sge, %broadcast_in_dim3A_157, %ge3A_159 : vector<16x1xi32>
    %ge3A_161 = arith.constant 0 : i32
    %ge3A_162 = vector.broadcast %ge3A_161 : i32 to vector<16x1xi32>
    %ge3A_163 = arith.cmpi sge, %add3A_150, %ge3A_162 : vector<16x1xi32>
    %and3A_164 = arith.andi %ge3A_160, %ge3A_163 : vector<16x1xi1>
    %convert_element_type3A_165 = arith.extui %and3A_164 : vector<16x1xi1> to vector<16x1xi32>
    %reduce_sum3A_166 = vector.shape_cast %convert_element_type3A_165 : vector<16x1xi32> to vector<1x16x1xi32>
    %reduce_sum3A_167 = arith.constant dense<0> : vector<1xi32>
    %reduce_sum3A_168 = vector.multi_reduction <add>, %reduce_sum3A_166, %reduce_sum3A_167 [1, 2] : vector<1x16x1xi32> to vector<1xi32>
    %reduce_sum3A_169 = vector.shape_cast %reduce_sum3A_168 : vector<1xi32> to vector<1x1x1xi32>
    %reduce_sum3A_170 = vector.extract %reduce_sum3A_169[0, 0, 0] : i32 from vector<1x1x1xi32>
    %sub3A_171 = arith.constant 1 : i32
    %sub3A_172 = arith.subi %reduce_sum3A_170, %sub3A_171 : i32
    %shift_left3A_173 = arith.constant 8 : i32
    %shift_left3A_174 = arith.shli %sub3A_172, %shift_left3A_173 : i32
    %add3A_175 = arith.addi %add3A_145, %shift_left3A_174 : i32
    %shift_left3A_176 = arith.constant 4 : i32
    %shift_left3A_177 = vector.broadcast %shift_left3A_176 : i32 to vector<16x1xi32>
    %shift_left3A_178 = arith.shli %iota3A, %shift_left3A_177 : vector<16x1xi32>
    %add3A_179 = vector.broadcast %add3A_175 : i32 to vector<16x1xi32>
    %add3A_180 = arith.addi %add3A_179, %shift_left3A_178 : vector<16x1xi32>
    %ge3A_181 = vector.broadcast %bitcast_convert_type3A : vector<1x4096xi32> to vector<16x4096xi32>
    %ge3A_182 = vector.broadcast %add3A_180 : vector<16x1xi32> to vector<16x4096xi32>
    %ge3A_183 = arith.cmpi sge, %ge3A_181, %ge3A_182 : vector<16x4096xi32>
    %convert_element_type3A_184 = arith.extui %ge3A_183 : vector<16x4096xi1> to vector<16x4096xi32>
    %reduce_sum3A_185 = arith.constant dense<0> : vector<16xi32>
    %reduce_sum3A_186 = vector.multi_reduction <add>, %convert_element_type3A_184, %reduce_sum3A_185 [1] : vector<16x4096xi32> to vector<16xi32>
    %broadcast_in_dim3A_187 = vector.shape_cast %reduce_sum3A_186 : vector<16xi32> to vector<16x1xi32>
    %ge3A_188 = arith.constant 1228 : i32
    %ge3A_189 = vector.broadcast %ge3A_188 : i32 to vector<16x1xi32>
    %ge3A_190 = arith.cmpi sge, %broadcast_in_dim3A_187, %ge3A_189 : vector<16x1xi32>
    %ge3A_191 = arith.constant 0 : i32
    %ge3A_192 = vector.broadcast %ge3A_191 : i32 to vector<16x1xi32>
    %ge3A_193 = arith.cmpi sge, %add3A_180, %ge3A_192 : vector<16x1xi32>
    %and3A_194 = arith.andi %ge3A_190, %ge3A_193 : vector<16x1xi1>
    %convert_element_type3A_195 = arith.extui %and3A_194 : vector<16x1xi1> to vector<16x1xi32>
    %reduce_sum3A_196 = vector.shape_cast %convert_element_type3A_195 : vector<16x1xi32> to vector<1x16x1xi32>
    %reduce_sum3A_197 = arith.constant dense<0> : vector<1xi32>
    %reduce_sum3A_198 = vector.multi_reduction <add>, %reduce_sum3A_196, %reduce_sum3A_197 [1, 2] : vector<1x16x1xi32> to vector<1xi32>
    %reduce_sum3A_199 = vector.shape_cast %reduce_sum3A_198 : vector<1xi32> to vector<1x1x1xi32>
    %reduce_sum3A_200 = vector.extract %reduce_sum3A_199[0, 0, 0] : i32 from vector<1x1x1xi32>
    %sub3A_201 = arith.constant 1 : i32
    %sub3A_202 = arith.subi %reduce_sum3A_200, %sub3A_201 : i32
    %shift_left3A_203 = arith.constant 4 : i32
    %shift_left3A_204 = arith.shli %sub3A_202, %shift_left3A_203 : i32
    %add3A_205 = arith.addi %add3A_175, %shift_left3A_204 : i32
    %shift_left3A_206 = arith.constant 0 : i32
    %shift_left3A_207 = vector.broadcast %shift_left3A_206 : i32 to vector<16x1xi32>
    %shift_left3A_208 = arith.shli %iota3A, %shift_left3A_207 : vector<16x1xi32>
    %add3A_209 = vector.broadcast %add3A_205 : i32 to vector<16x1xi32>
    %add3A_210 = arith.addi %add3A_209, %shift_left3A_208 : vector<16x1xi32>
    %ge3A_211 = vector.broadcast %bitcast_convert_type3A : vector<1x4096xi32> to vector<16x4096xi32>
    %ge3A_212 = vector.broadcast %add3A_210 : vector<16x1xi32> to vector<16x4096xi32>
    %ge3A_213 = arith.cmpi sge, %ge3A_211, %ge3A_212 : vector<16x4096xi32>
    %convert_element_type3A_214 = arith.extui %ge3A_213 : vector<16x4096xi1> to vector<16x4096xi32>
    %reduce_sum3A_215 = arith.constant dense<0> : vector<16xi32>
    %reduce_sum3A_216 = vector.multi_reduction <add>, %convert_element_type3A_214, %reduce_sum3A_215 [1] : vector<16x4096xi32> to vector<16xi32>
    %broadcast_in_dim3A_217 = vector.shape_cast %reduce_sum3A_216 : vector<16xi32> to vector<16x1xi32>
    %ge3A_218 = arith.constant 1228 : i32
    %ge3A_219 = vector.broadcast %ge3A_218 : i32 to vector<16x1xi32>
    %ge3A_220 = arith.cmpi sge, %broadcast_in_dim3A_217, %ge3A_219 : vector<16x1xi32>
    %ge3A_221 = arith.constant 0 : i32
    %ge3A_222 = vector.broadcast %ge3A_221 : i32 to vector<16x1xi32>
    %ge3A_223 = arith.cmpi sge, %add3A_210, %ge3A_222 : vector<16x1xi32>
    %and3A_224 = arith.andi %ge3A_220, %ge3A_223 : vector<16x1xi1>
    %convert_element_type3A_225 = arith.extui %and3A_224 : vector<16x1xi1> to vector<16x1xi32>
    %reduce_sum3A_226 = vector.shape_cast %convert_element_type3A_225 : vector<16x1xi32> to vector<1x16x1xi32>
    %reduce_sum3A_227 = arith.constant dense<0> : vector<1xi32>
    %reduce_sum3A_228 = vector.multi_reduction <add>, %reduce_sum3A_226, %reduce_sum3A_227 [1, 2] : vector<1x16x1xi32> to vector<1xi32>
    %reduce_sum3A_229 = vector.shape_cast %reduce_sum3A_228 : vector<1xi32> to vector<1x1x1xi32>
    %reduce_sum3A_230 = vector.extract %reduce_sum3A_229[0, 0, 0] : i32 from vector<1x1x1xi32>
    %sub3A_231 = arith.constant 1 : i32
    %sub3A_232 = arith.subi %reduce_sum3A_230, %sub3A_231 : i32
    %shift_left3A_233 = arith.constant 0 : i32
    %shift_left3A_234 = arith.shli %sub3A_232, %shift_left3A_233 : i32
    %add3A_235 = arith.addi %add3A_205, %shift_left3A_234 : i32
    %gt3A = vector.broadcast %add3A_235 : i32 to vector<1x4096xi32>
    %gt3A_236 = arith.cmpi sgt, %bitcast_convert_type3A, %gt3A : vector<1x4096xi32>
    %eq3A = vector.broadcast %add3A_235 : i32 to vector<1x4096xi32>
    %eq3A_237 = arith.cmpi eq, %bitcast_convert_type3A, %eq3A : vector<1x4096xi32>
    %convert_element_type3A_238 = arith.extui %gt3A_236 : vector<1x4096xi1> to vector<1x4096xi32>
    %reduce_sum3A_239 = vector.shape_cast %convert_element_type3A_238 : vector<1x4096xi32> to vector<1x1x4096xi32>
    %reduce_sum3A_240 = arith.constant dense<0> : vector<1xi32>
    %reduce_sum3A_241 = vector.multi_reduction <add>, %reduce_sum3A_239, %reduce_sum3A_240 [1, 2] : vector<1x1x4096xi32> to vector<1xi32>
    %reduce_sum3A_242 = vector.shape_cast %reduce_sum3A_241 : vector<1xi32> to vector<1x1x1xi32>
    %reduce_sum3A_243 = vector.extract %reduce_sum3A_242[0, 0, 0] : i32 from vector<1x1x1xi32>
    %sub3A_244 = arith.constant 1228 : i32
    %sub3A_245 = arith.subi %sub3A_244, %reduce_sum3A_243 : i32
    %iota3A_246 = tpu.iota {dimensions = array<i32: 1>} : vector<1x4096xi32>
    %convert_element_type3A_247 = arith.extui %eq3A_237 : vector<1x4096xi1> to vector<1x4096xi32>
    %shift_left3A_248 = arith.constant 8 : i32
    %shift_left3A_249 = vector.broadcast %shift_left3A_248 : i32 to vector<16x1xi32>
    %shift_left3A_250 = arith.shli %iota3A, %shift_left3A_249 : vector<16x1xi32>
    %add3A_251 = arith.constant 0 : i32
    %add3A_252 = vector.broadcast %add3A_251 : i32 to vector<16x1xi32>
    %add3A_253 = arith.addi %add3A_252, %shift_left3A_250 : vector<16x1xi32>
    %lt3A = vector.broadcast %iota3A_246 : vector<1x4096xi32> to vector<16x4096xi32>
    %lt3A_254 = vector.broadcast %add3A_253 : vector<16x1xi32> to vector<16x4096xi32>
    %lt3A_255 = arith.cmpi slt, %lt3A, %lt3A_254 : vector<16x4096xi32>
    %jit3A = arith.constant 0 : i32
    %broadcast_in_dim3A_256 = vector.shape_cast %convert_element_type3A_247 : vector<1x4096xi32> to vector<1x4096xi32>
    %broadcast_in_dim3A_257 = vector.broadcast %broadcast_in_dim3A_256 : vector<1x4096xi32> to vector<16x4096xi32>
    %broadcast_in_dim3A_258 = vector.broadcast %jit3A : i32 to vector<16x4096xi32>
    %select_n3A = arith.select %lt3A_255, %broadcast_in_dim3A_257, %broadcast_in_dim3A_258 : vector<16x4096xi1>, vector<16x4096xi32>
    %reduce_sum3A_259 = arith.constant dense<0> : vector<16xi32>
    %reduce_sum3A_260 = vector.multi_reduction <add>, %select_n3A, %reduce_sum3A_259 [1] : vector<16x4096xi32> to vector<16xi32>
    %broadcast_in_dim3A_261 = vector.shape_cast %reduce_sum3A_260 : vector<16xi32> to vector<16x1xi32>
    %lt3A_262 = vector.broadcast %sub3A_245 : i32 to vector<16x1xi32>
    %lt3A_263 = arith.cmpi slt, %broadcast_in_dim3A_261, %lt3A_262 : vector<16x1xi32>
    %convert_element_type3A_264 = arith.extui %lt3A_263 : vector<16x1xi1> to vector<16x1xi32>
    %reduce_sum3A_265 = vector.shape_cast %convert_element_type3A_264 : vector<16x1xi32> to vector<1x16x1xi32>
    %reduce_sum3A_266 = arith.constant dense<0> : vector<1xi32>
    %reduce_sum3A_267 = vector.multi_reduction <add>, %reduce_sum3A_265, %reduce_sum3A_266 [1, 2] : vector<1x16x1xi32> to vector<1xi32>
    %reduce_sum3A_268 = vector.shape_cast %reduce_sum3A_267 : vector<1xi32> to vector<1x1x1xi32>
    %reduce_sum3A_269 = vector.extract %reduce_sum3A_268[0, 0, 0] : i32 from vector<1x1x1xi32>
    %sub3A_270 = arith.constant 1 : i32
    %sub3A_271 = arith.subi %reduce_sum3A_269, %sub3A_270 : i32
    %max3A = arith.constant 0 : i32
    %max3A_272 = arith.maxsi %sub3A_271, %max3A : i32
    %shift_left3A_273 = arith.constant 8 : i32
    %shift_left3A_274 = arith.shli %max3A_272, %shift_left3A_273 : i32
    %add3A_275 = arith.constant 0 : i32
    %add3A_276 = arith.addi %add3A_275, %shift_left3A_274 : i32
    %shift_left3A_277 = arith.constant 4 : i32
    %shift_left3A_278 = vector.broadcast %shift_left3A_277 : i32 to vector<16x1xi32>
    %shift_left3A_279 = arith.shli %iota3A, %shift_left3A_278 : vector<16x1xi32>
    %add3A_280 = vector.broadcast %add3A_276 : i32 to vector<16x1xi32>
    %add3A_281 = arith.addi %add3A_280, %shift_left3A_279 : vector<16x1xi32>
    %lt3A_282 = vector.broadcast %iota3A_246 : vector<1x4096xi32> to vector<16x4096xi32>
    %lt3A_283 = vector.broadcast %add3A_281 : vector<16x1xi32> to vector<16x4096xi32>
    %lt3A_284 = arith.cmpi slt, %lt3A_282, %lt3A_283 : vector<16x4096xi32>
    %jit3A_285 = arith.constant 0 : i32
    %broadcast_in_dim3A_286 = vector.shape_cast %convert_element_type3A_247 : vector<1x4096xi32> to vector<1x4096xi32>
    %broadcast_in_dim3A_287 = vector.broadcast %broadcast_in_dim3A_286 : vector<1x4096xi32> to vector<16x4096xi32>
    %broadcast_in_dim3A_288 = vector.broadcast %jit3A_285 : i32 to vector<16x4096xi32>
    %select_n3A_289 = arith.select %lt3A_284, %broadcast_in_dim3A_287, %broadcast_in_dim3A_288 : vector<16x4096xi1>, vector<16x4096xi32>
    %reduce_sum3A_290 = arith.constant dense<0> : vector<16xi32>
    %reduce_sum3A_291 = vector.multi_reduction <add>, %select_n3A_289, %reduce_sum3A_290 [1] : vector<16x4096xi32> to vector<16xi32>
    %broadcast_in_dim3A_292 = vector.shape_cast %reduce_sum3A_291 : vector<16xi32> to vector<16x1xi32>
    %lt3A_293 = vector.broadcast %sub3A_245 : i32 to vector<16x1xi32>
    %lt3A_294 = arith.cmpi slt, %broadcast_in_dim3A_292, %lt3A_293 : vector<16x1xi32>
    %convert_element_type3A_295 = arith.extui %lt3A_294 : vector<16x1xi1> to vector<16x1xi32>
    %reduce_sum3A_296 = vector.shape_cast %convert_element_type3A_295 : vector<16x1xi32> to vector<1x16x1xi32>
    %reduce_sum3A_297 = arith.constant dense<0> : vector<1xi32>
    %reduce_sum3A_298 = vector.multi_reduction <add>, %reduce_sum3A_296, %reduce_sum3A_297 [1, 2] : vector<1x16x1xi32> to vector<1xi32>
    %reduce_sum3A_299 = vector.shape_cast %reduce_sum3A_298 : vector<1xi32> to vector<1x1x1xi32>
    %reduce_sum3A_300 = vector.extract %reduce_sum3A_299[0, 0, 0] : i32 from vector<1x1x1xi32>
    %sub3A_301 = arith.constant 1 : i32
    %sub3A_302 = arith.subi %reduce_sum3A_300, %sub3A_301 : i32
    %max3A_303 = arith.constant 0 : i32
    %max3A_304 = arith.maxsi %sub3A_302, %max3A_303 : i32
    %shift_left3A_305 = arith.constant 4 : i32
    %shift_left3A_306 = arith.shli %max3A_304, %shift_left3A_305 : i32
    %add3A_307 = arith.addi %add3A_276, %shift_left3A_306 : i32
    %shift_left3A_308 = arith.constant 0 : i32
    %shift_left3A_309 = vector.broadcast %shift_left3A_308 : i32 to vector<16x1xi32>
    %shift_left3A_310 = arith.shli %iota3A, %shift_left3A_309 : vector<16x1xi32>
    %add3A_311 = vector.broadcast %add3A_307 : i32 to vector<16x1xi32>
    %add3A_312 = arith.addi %add3A_311, %shift_left3A_310 : vector<16x1xi32>
    %lt3A_313 = vector.broadcast %iota3A_246 : vector<1x4096xi32> to vector<16x4096xi32>
    %lt3A_314 = vector.broadcast %add3A_312 : vector<16x1xi32> to vector<16x4096xi32>
    %lt3A_315 = arith.cmpi slt, %lt3A_313, %lt3A_314 : vector<16x4096xi32>
    %jit3A_316 = arith.constant 0 : i32
    %broadcast_in_dim3A_317 = vector.shape_cast %convert_element_type3A_247 : vector<1x4096xi32> to vector<1x4096xi32>
    %broadcast_in_dim3A_318 = vector.broadcast %broadcast_in_dim3A_317 : vector<1x4096xi32> to vector<16x4096xi32>
    %broadcast_in_dim3A_319 = vector.broadcast %jit3A_316 : i32 to vector<16x4096xi32>
    %select_n3A_320 = arith.select %lt3A_315, %broadcast_in_dim3A_318, %broadcast_in_dim3A_319 : vector<16x4096xi1>, vector<16x4096xi32>
    %reduce_sum3A_321 = arith.constant dense<0> : vector<16xi32>
    %reduce_sum3A_322 = vector.multi_reduction <add>, %select_n3A_320, %reduce_sum3A_321 [1] : vector<16x4096xi32> to vector<16xi32>
    %broadcast_in_dim3A_323 = vector.shape_cast %reduce_sum3A_322 : vector<16xi32> to vector<16x1xi32>
    %lt3A_324 = vector.broadcast %sub3A_245 : i32 to vector<16x1xi32>
    %lt3A_325 = arith.cmpi slt, %broadcast_in_dim3A_323, %lt3A_324 : vector<16x1xi32>
    %convert_element_type3A_326 = arith.extui %lt3A_325 : vector<16x1xi1> to vector<16x1xi32>
    %reduce_sum3A_327 = vector.shape_cast %convert_element_type3A_326 : vector<16x1xi32> to vector<1x16x1xi32>
    %reduce_sum3A_328 = arith.constant dense<0> : vector<1xi32>
    %reduce_sum3A_329 = vector.multi_reduction <add>, %reduce_sum3A_327, %reduce_sum3A_328 [1, 2] : vector<1x16x1xi32> to vector<1xi32>
    %reduce_sum3A_330 = vector.shape_cast %reduce_sum3A_329 : vector<1xi32> to vector<1x1x1xi32>
    %reduce_sum3A_331 = vector.extract %reduce_sum3A_330[0, 0, 0] : i32 from vector<1x1x1xi32>
    %sub3A_332 = arith.constant 1 : i32
    %sub3A_333 = arith.subi %reduce_sum3A_331, %sub3A_332 : i32
    %max3A_334 = arith.constant 0 : i32
    %max3A_335 = arith.maxsi %sub3A_333, %max3A_334 : i32
    %shift_left3A_336 = arith.constant 0 : i32
    %shift_left3A_337 = arith.shli %max3A_335, %shift_left3A_336 : i32
    %add3A_338 = arith.addi %add3A_307, %shift_left3A_337 : i32
    %gt3A_339 = arith.constant 0 : i32
    %gt3A_340 = arith.cmpi sgt, %sub3A_245, %gt3A_339 : i32
    %add3A_341 = arith.constant 1 : i32
    %add3A_342 = arith.addi %add3A_338, %add3A_341 : i32
    %jit3A_343 = arith.constant 0 : i32
    %select_n3A_344 = arith.select %gt3A_340, %add3A_342, %jit3A_343 : i32
    %lt3A_345 = vector.broadcast %select_n3A_344 : i32 to vector<1x4096xi32>
    %lt3A_346 = arith.cmpi slt, %iota3A_246, %lt3A_345 : vector<1x4096xi32>
    %and3A_347 = arith.andi %eq3A_237, %lt3A_346 : vector<1x4096xi1>
    %or3A = arith.ori %gt3A_236, %and3A_347 : vector<1x4096xi1>
    %jit3A_348 = arith.constant 0.000000e+00 : f32
    %broadcast_in_dim3A_349 = vector.broadcast %jit3A_348 : f32 to vector<1x4096xf32>
    %select_n3A_350 = arith.select %or3A, %get3A_1, %broadcast_in_dim3A_349 : vector<1x4096xi1>, vector<1x4096xf32>
    %swap3A = arith.constant 0 : index
    %swap3A_351 = arith.constant 0 : index
    %swap3A_352 = vector.load %arg1[%swap3A, %swap3A_351] : memref<1x4096xf32, #tpu.memory_space<vmem>>, vector<1x4096xf32>
    tpu.vector_store %arg1[%swap3A, %swap3A_351], %select_n3A_350 {strides = array<i32>} : memref<1x4096xf32, #tpu.memory_space<vmem>>, vector<1x4096xf32>,
    return
  }
}

</mosaic_0001>

<sc_bundles>
// kernel: _run.5.cloned.1.call-start
scs
__scs_entry_jumppad:
0x0: {  	(pc) =	sbr.rel $0x88, $3  }
0x1: {  	(tag) =	ssettag $0x0;
	lr =	simm.s32 $0x1  }
0x2: {  	[smem:$0x3F9E] =	sst lr;
	_ =	strace $0xD0000000  }
0x3: {  	_ = 	snop  }
0x4: {  	_ = 	snop  }
0x5: {  	_ = 	snop  }
0x6: {  	_ = 	snop  }
0x7: {  	_ = 	snop  }
__scs_overlays_trampoline_lowered:
0x8: {  	[smem:$0x3FAD] =	sst s0  }
0x9: {  	[smem:$0x3FAE] =	sst s1  }
0xa: {  	[smem:$0x3FAF] =	sst s2  }
0xb: {  	[smem:$0x3FB0] =	sst s3  }
0xc: {  	[smem:$0x3FB1] =	sst s4  }
0xd: {  	[smem:$0x3FB2] =	sst s5  }
0xe: {  	[smem:$0x3FB3] =	sst s6  }
0xf: {  	[smem:$0x3FB4] =	sst s7  }
0x10: {  	[smem:$0x3FB5] =	sst s8  }
0x11: {  	[smem:$0x3FB6] =	sst s9;
	s0 =	simm.s32 @!p0 $0x0  }
0x12: {  	s1 =	sld [smem:$0x3F9C];
	s0 =	simm.s32 @p0 $0x1  }
0x13: {  	[smem:$0x3FB7] =	sst s0;
	s0 =	simm.s32 @!p1 $0x0  }
0x14: {  	s2 =	sld [smem:$0x3F9B];
	s0 =	simm.s32 @p1 $0x1  }
0x15: {  	[smem:$0x3FB8] =	sst s0;
	s0 =	simm.s32 @!p2 $0x0  }
0x16: {  	s3 =	sld [smem:$0x3FDB];
	s0 =	simm.s32 @p2 $0x1  }
0x17: {  	s4 =	simm.s32 $0x1BF5;
	[smem:$0x3FBA] =	sst s0  }
0x18: {  	s0 =	sld [smem:$0x3F9D];
	_ =	swait.ge [sflag:s4], $0x0  }
0x19: {  	s7 =	sld [smem:$0x3F9E]  }
0x1a: {  	s8 =	sadd.s32 $0xFFFFE003, lr  }
0x1b: {  	s9 =	sadd.s32 $0xFFFFFEF7, lr;
	s5 =	simm.s32 $0xFFFFFFFF;
	p2 =	slt.u32 s8, $0xFFFFF086  }
0x1c: {  	p1 =	slt.u32 s9, $0xF7A;
	s5 =	simm.s32 @!p2 $0x0  }
0x1d: {  	s5 =	simm.s32 @p1 $0x1;
	p0 =	seq.s32 s7, s2  }
0x1e: {  	s7 =	smul.u32 @!p0 $0xF7A, s2;
	p2 =	seq.s32 @!p0 s5, $0x0  }
0x1f: {  	s9 =	smul.u32 $0xF7A, s1;
	s8 =	simm.s32 @!p0 $0x1BF5;
	p2 =	por !p2, p0  }
0x20: {  	[sflag:s8] =	ssyncset.s32 @!p0 $0xFFFFF086;
	s6 =	sadd.s32 @!p0 s3, s7;
	s7 =	simm.s32 @!p0 $0x108  }
0x21: {  	s3 =	sadd.s32 s3, s9;
	s6 =	sadd.s32 @!p0 $0x88, s6;
	s7 =	simm.s32 @p2 $0x1082  }
0x22: {  	[simem:s7], [sflag:s8] =	dma.local @!p0 [hbm:s6], $0xF7A  }
0x23: {  	s9 =	sor.u32 $0xD0000000, s2;
	s6 =	simm.s32 $0x108;
	_ =	swait.ge @!p0 [sflag:s8], $0x0  }
0x24: {  	s3 =	sadd.s32 $0x88, s3;
	s6 =	simm.s32 @!p1 $0x1082;
	[sflag:s4] =	ssyncset.s32 $0xFFFFF086  }
0x25: {  	[simem:s6], [sflag:s4] =	dma.local [hbm:s3], $0xF7A  }
0x26: {  	[smem:$0x3F9E] =	sst s1;
	(tag) =	ssettag s2;
	_ =	strace s9  }
0x27: {  	s1 =	sld [smem:$0x3FAE]  }
0x28: {  	s2 =	sld [smem:$0x3FAF]  }
0x29: {  	s4 =	sld [smem:$0x3FB1]  }
0x2a: {  	p0 =	seq.s32 s5, $0x0;
	s5 =	sld [smem:$0x3FB2]  }
0x2b: {  	s6 =	sld [smem:$0x3FB3]  }
0x2c: {  	s7 =	sld [smem:$0x3FB4]  }
0x2d: {  	s3 =	simm.s32 $0x108;
	s8 =	sld [smem:$0x3FB5]  }
0x2e: {  	s3 =	simm.s32 @!p0 $0x1082;
	s9 =	sld [smem:$0x3FB6]  }
0x2f: {  	lr =	sadd.s32 s0, s3;
	s0 =	sld [smem:$0x3FAD]  }
0x30: {  	s3 =	sld [smem:$0x3FB0]  }
0x31: {  	[smem:$0x3FB9] =	sst s10  }
0x32: {  	s10 =	sld [smem:$0x3FB7];
	_ =	sdelay $0x3  }
0x33: {  	p0 =	seq.s32 s10, $0x1;
	s10 =	sld [smem:$0x3FB9];
	_ =	sdelay $0x3  }
0x34: {  	[smem:$0x3FB9] =	sst s10  }
0x35: {  	s10 =	sld [smem:$0x3FB8];
	_ =	sdelay $0x3  }
0x36: {  	p1 =	seq.s32 s10, $0x1;
	s10 =	sld [smem:$0x3FB9];
	_ =	sdelay $0x3  }
0x37: {  	[smem:$0x3FB9] =	sst s10  }
0x38: {  	s10 =	sld [smem:$0x3FBA]  }
0x39: {  	_ = 	snop;
	(pc) =	sbr.ind lr, $3  }
0x3a: {  	_ = 	snop  }
0x3b: {  	_ = 	snop  }
0x3c: {  	p2 =	seq.s32 s10, $0x1;
	s10 =	sld [smem:$0x3FB9]  }
0x3d: {  	_ =	shalt  }
0x3e: {  	_ =	shalt  }
0x3f: {  	_ =	shalt  }
0x40: {  	_ =	shalt  }
0x41: {  	_ =	shalt  }
0x42: {  	_ =	shalt  }
0x43: {  	_ =	shalt  }
0x44: {  	_ =	shalt  }
0x45: {  	_ =	shalt  }
0x46: {  	_ =	shalt  }
0x47: {  	_ =	shalt  }
0x48: {  	_ =	shalt  }
0x49: {  	_ =	shalt  }
0x4a: {  	_ =	shalt  }
0x4b: {  	_ =	shalt  }
0x4c: {  	_ =	shalt  }
0x4d: {  	_ =	shalt  }
0x4e: {  	_ =	shalt  }
0x4f: {  	_ =	shalt  }
0x50: {  	_ =	shalt  }
0x51: {  	_ =	shalt  }
0x52: {  	_ =	shalt  }
0x53: {  	_ =	shalt  }
0x54: {  	_ =	shalt  }
0x55: {  	_ =	shalt  }
0x56: {  	_ =	shalt  }
0x57: {  	_ =	shalt  }
0x58: {  	_ =	shalt  }
0x59: {  	_ =	shalt  }
0x5a: {  	_ =	shalt  }
0x5b: {  	_ =	shalt  }
0x5c: {  	_ =	shalt  }
0x5d: {  	_ =	shalt  }
0x5e: {  	_ =	shalt  }
0x5f: {  	_ =	shalt  }
0x60: {  	_ =	shalt  }
0x61: {  	_ =	shalt  }
0x62: {  	_ =	shalt  }
0x63: {  	_ =	shalt  }
0x64: {  	_ =	shalt  }
0x65: {  	_ =	shalt  }
0x66: {  	_ =	shalt  }
0x67: {  	_ =	shalt  }
0x68: {  	_ =	shalt  }
0x69: {  	_ =	shalt  }
0x6a: {  	_ =	shalt  }
0x6b: {  	_ =	shalt  }
0x6c: {  	_ =	shalt  }
0x6d: {  	_ =	shalt  }
0x6e: {  	_ =	shalt  }
0x6f: {  	_ =	shalt  }
0x70: {  	_ =	shalt  }
0x71: {  	_ =	shalt  }
0x72: {  	_ =	shalt  }
0x73: {  	_ =	shalt  }
0x74: {  	_ =	shalt  }
0x75: {  	_ =	shalt  }
0x76: {  	_ =	shalt  }
0x77: {  	_ =	shalt  }
0x78: {  	_ =	shalt  }
0x79: {  	_ =	shalt  }
0x7a: {  	_ =	shalt  }
0x7b: {  	_ =	shalt  }
0x7c: {  	_ =	shalt  }
0x7d: {  	_ =	shalt  }
0x7e: {  	_ =	shalt  }
0x7f: {  	_ =	shalt  }
0x80: {  	_ =	shalt  }
0x81: {  	_ =	shalt  }
0x82: {  	_ =	shalt  }
0x83: {  	_ =	shalt  }
0x84: {  	_ =	shalt  }
0x85: {  	_ =	shalt  }
0x86: {  	_ =	shalt  }
0x87: {  	_ =	shalt  }
.Lfunc_end0:
.L_simem_size_0:
called_computation_lowered:
.L_overlay_start_0:
0x88: {  	s2 =	sld [smem:$0x3FD9]  }
0x89: {  	s3 =	sld [smem:$0x3FFE];
	_ =	sdelay $0x1  }
0x8a: {  	s1 =	srdreg.scid  }
0x8b: {  	s0 =	sand.u32 $0x1, s1  }
0x8c: {  	s17 =	sshll.u32 s0, $0xA;
	s2 =	sadd.s32 s3, s2  }
0x8d: {  	s2 =	sadd.s32 s2, s17  }
0x8e: {  	[smem:$0x3FC5] =	sst s2  }
0x8f: {  	_ = 	snop  }
0x90: {  	s2 =	sld [smem:$0x3FC8]  }
0x91: {  	s18 =	sld [smem:$0x3FC7]  }
0x92: {  	s4 =	sld [smem:$0x3FD0];
	(tm) =	ssettm $0x1  }
0x93: {  	s5 =	sld [smem:$0x3FFB];
	_ =	sdelay $0x3  }
0x94: {  	_ =	strace s5  }
0x95: {  	s5 =	sld [smem:$0x3FFC];
	_ =	sdelay $0x3  }
0x96: {  	_ =	strace s5  }
0x97: {  	s5 =	sld [smem:$0x3FFD];
	_ =	sdelay $0x3  }
0x98: {  	_ =	strace s5  }
0x99: {  	_ =	strace $0x8FFFFFFF  }
0x9a: {  	s19 =	sld [smem:$0x3FDB];
	_ =	sdelay $0x1  }
0x9b: {  	s6 =	simm.s32 $_scs_section_size  }
0x9c: {  	s7 =	simm.s32 $_size__tile_overlayer_lowered;
	s8 =	simm.s32 $_tile_overlayer_lowered  }
0x9d: {  	s22 =	simm.s32 $0x1BFF;
	s21 =	sshll.u32 s8, $0x1;
	s5 =	sadd.s32 s6, s19  }
0x9e: {  	s9 =	simm.s32 $0x0;
	s20 =	sshll.u32 s7, $0x1;
	s7 =	sadd.s32 s21, s5  }
0x9f: {  	[timem:s9], [sflag:s22] =	dma.local [hbm:s7], s20  }
0xa0: {  	_ =	swait.ge [sflag:s22], s20  }
0xa1: {  	s6 =	ssub.s32 $0x0, s20;
	[sflag:s22] =	ssyncset.done $0x0  }
0xa2: {  	[sflag:s22] =	ssyncadd.s32 s6;
	_ =	sdelay $0x1  }
0xa3: {  	s23 =	simm.s32 $0x1B8B  }
0xa4: {  	_ =	swait.ge [sflag:s23], $0x1  }
0xa5: {  	[sflag:s23] =	ssyncset.done $0x0  }
0xa6: {  	s25 =	simm.s32 $0x1B8E;
	s24 =	sld [smem:$0x3FFE];
	[sflag:s23] =	ssyncadd.s32 $0xFFFFFFFF  }
0xa7: {  	s26 =	simm.s32 $execute0_lowered;
	[smem:$0x3FD2] =	sst s25  }
0xa8: {  	s7 =	sshll.u32 s26, $0x1;
	_ =	strace $0x80000046;
	[dreg:$0x1] =	wrdreg $0xFFFFFFFF  }
0xa9: {  	s28 =	simm.s32 $_size_execute0_lowered;
	s5 =	sadd.s32 s5, s7;
	[dreg:$0x0] =	wrdreg $0x0  }
0xaa: {  	s7 =	sshll.u32 s28, $0x1;
	[dreg:$0x2] =	wrdreg s5  }
0xab: {  	[dreg:$0x3] =	wrdreg s7  }
0xac: {  	[dreg:$0x4] =	wrdreg $0xC0  }
0xad: {  	_ =	task [dreg:s9], $0x5FFFF  }
0xae: {  	[dreg:$0x1] =	wrdreg $0xFFFFFFFF  }
0xaf: {  	[dreg:$0x0] =	wrdreg $0x60  }
0xb0: {  	[dreg:$0x2] =	wrdreg s4  }
0xb1: {  	[dreg:$0x3] =	wrdreg s2  }
0xb2: {  	[dreg:$0x4] =	wrdreg s18  }
0xb3: {  	[dreg:$0x5] =	wrdreg s24  }
0xb4: {  	[dreg:$0x6] =	wrdreg $0x9  }
0xb5: {  	_ =	task.clear_ibuf [dreg:s9], $0x7FFFF;
	_ =	strace $0x90000046  }
0xb6: {  	s29 =	simm.s32 $0x9;
	_ =	strace $0x80000048  }
0xb7: {  	_ =	swait.ge [sflag:s29], $0x1  }
0xb8: {  	[sflag:s29] =	ssyncadd.s32 $0xFFFFFFFF  }
0xb9: {  	_ =	strace $0x90000048  }
0xba: {  	_ =	sfence  }
0xbb: {  	s30 =	sld [smem:$0x0];
	_ =	sdelay $0x2  }
0xbc: {  	s31 =	sshll.u32 s1, $0xD;
	s1 =	sshrl.u32 s1, $0x2  }
0xbd: {  	s3 =	sand.u32 $0x4000, s31;
	s1 =	sadd.s32 s1, s30  }
0xbe: {  	s0 =	sor.u32 s3, s0;
	s1 =	sshll.u32 s1, $0x11  }
0xbf: {  	s0 =	sor.u32 s1, s0  }
0xc0: {  	s0 =	sadd.s32 $0x8F2B, s0  }
0xc1: {  	[sflag:s0] =	ssyncadd.remote.s32 $0x1  }
0xc2: {  	_ =	sfence.sel $0xFFFF  }
0xc3: {  	[dreg:$0x0] =	wrdreg $0xFFFFFFFF;
	(pc) =	sbr.abs _section_cstart, $3  }
0xc4: {  	[dreg:$0x1] =	wrdreg $0xFFFFFFFF  }
0xc5: {  	_ =	task.clear_ibuf [dreg:s9], $0x2FFFF;
	_ =	strace $0x9FFFFFFF  }
0xc6: {  	(tm) =	ssettm $0x7FFFFFFF  }
0xc7: {  	_ =	shalt  }
tec
execute0_lowered:
.L_overlay_start_1:
0x0: {  	(tag) =	ssettag $0x1  }
0x1: {  	v0 =	vimm.s32 $0xFEDCBA98;
	v1 =	vimm.s32 $0x76543210;
	v2 =	vimm.s32 $0xBA98FEDC  }
0x2: {  	s0 =	rddreg [dreg:$0x0];
	v3 =	vimm.s32 $0x32107654;
	v4 =	vimm.s32 $0xDCFE98BA;
	v5 =	vimm.s32 $0x54761032  }
0x3: {  	s5 =	rddreg [dreg:$0x1];
	v6 =	vimm.s32 $0xEFCDAB89;
	v7 =	vimm.s32 $0x67452301;
	vm0 =	vmmov $0x1  }
0x4: {  	s4 =	rddreg [dreg:$0x2];
	vm1 =	vcmask $0x308;
	vm2 =	vcmask $0x70C;
	vm3 =	vcmask $0xB10  }
0x5: {  	s6 =	rddreg [dreg:$0x3];
	s3 =	srdreg.scid;
	vm4 =	vcmask $0xF14;
	vm5 =	vcmask $0x1318;
	vm6 =	vcmask $0x171C  }
0x6: {  	s1 =	rddreg [dreg:$0x4];
	s2 =	stileid.u32;
	vm7 =	vcmask $0x1B20;
	vm8 =	vcmask $0x1F24;
	vm9 =	vcmask $0x2328  }
0x7: {  	s12 =	simm.s32 $0x9000;
	s13 =	simm.s32 $0x1;
	vm10 =	vcmask $0x272C;
	vm11 =	vcmask $0x2B30;
	vm12 =	vcmask $0x2F34;
	s14 =	simm.s32 $0x2  }
0x8: {  	s15 =	simm.s32 $0x11000;
	s16 =	simm.s32 $0x0;
	v0 =	vunpack.c.l.s4.s8 v0;
	v1 =	vunpack.c.l.s4.s8 v1;
	v2 =	vunpack.c.l.s4.s8 v2;
	s7 =	sand.u32 $0x1, s3  }
0x9: {  	v3 =	vunpack.c.l.s4.s8 v3;
	v4 =	vunpack.c.l.s4.s8 v4;
	v5 =	vunpack.c.l.s4.s8 v5;
	s3 =	simm.s32 $0x0;
	s8 =	sshll.u32 s2, $0x5;
	s9 =	sshll.u32 s7, $0x4  }
0xa: {  	v6 =	vunpack.c.l.s4.s8 v6;
	v7 =	vunpack.c.l.s4.s8 v7;
	[smem:$0x7FF] =	sst s3;
	s7 =	ssub.s32 $0x2, s7;
	v0 =	vunpack.c.0.s8.s32 v0;
	s8 =	sor.u32 s9, s8  }
0xb: {  	v2 =	vunpack.c.0.s8.s32 v2;
	v3 =	vunpack.c.0.s8.s32 v3;
	v4 =	vunpack.c.0.s8.s32 v4;
	_ =	strace $0x80000047;
	s28 =	sshrl.u32 s7, $0x1;
	s9 =	sshrl.u32 s8, $0x3  }
0xc: {  	v5 =	vunpack.c.0.s8.s32 v5;
	v6 =	vunpack.c.0.s8.s32 v6;
	v7 =	vunpack.c.0.s8.s32 v7;
	s10 =	sor.u32 $0xE00, s8;
	s11 =	ssub.s32 s7, s28;
	s30 =	sshll.u32 s8, $0x9  }
0xd: {  	vm13 =	vcmask $0x3338;
	v1 =	vunpack.c.0.s8.s32 v1;
	v2 =	vcombine.low v3, v2;
	s9 =	sadd.s32 s9, s6;
	s29 =	sshrl.u32 s10, $0x3;
	s31 =	sshll.u32 s10, $0x9  }
0xe: {  	v3 =	vcombine.low v5, v4;
	v4 =	vcombine.low v7, v6;
	v0 =	vand.u32 $0xF, v0;
	s7 =	sadd.s32 s30, s5;
	s8 =	smax.u32 s11, $0x1;
	s10 =	simm.s32 $0x11080  }
0xf: {  	vm14 =	vcmask $0x373C;
	vm15 =	vmmov $0x7fff;
	s11 =	simm.s32 $0x1000;
	v0 =	vcombine.low v0, v1;
	s4 =	sadd.s32 s4, s29;
	s5 =	sadd.s32 s5, s31  }
0x10: {  	s6 =	sadd.s32 $0x1C1000, s7;
	s7 =	sadd.s32 $0xC00, s9;
	s9 =	simm.s32 $0x3;
	v1 =	vand.u32 $0xF, v2;
	v2 =	vand.u32 $0xF, v3;
	v3 =	vand.u32 $0xF, v4  }
.LBB2_1:
0x11: {  	[tilespmem:s3], [sflag:$0x3] =	stream.linear.gather [hbm4b:s0+s3], $0x1000, $0x38;
	[tilespmem:$0x11100] =	vst v63  }
0x12: {  	_ =	swait.ge [sflag:s9], $0x1000  }
0x13: {  	[sflag:s9] =	ssyncset.done $0x0  }
0x14: {  	[sflag:s9] =	ssyncadd.s32 $0xFFFFF000  }
0x15: {  	[tilespmem:s10], [sflag:$0x3] =	stream.linear.gather [hbm4b:s4+s3], $0x10, $0x38;
	[tilespmem:$0x11100] =	vst v63  }
0x16: {  	_ =	swait.ge [sflag:s9], $0x10  }
0x17: {  	[sflag:s9] =	ssyncset.done $0x0  }
0x18: {  	[sflag:s9] =	ssyncadd.s32 $0xFFFFFFF0  }
0x19: {  	[tilespmem:s11], [sflag:$0x1] =	stream.linear.gather [hbm4b:s5+s3], $0x8000, $0x38;
	[tilespmem:$0x11100] =	vst v63  }
0x1a: {  	_ = 	snop  }
0x1b: {  	[tilespmem:s12], [sflag:$0x2] =	stream.linear.gather [hbm4b:s6+s3], $0x8000, $0x38;
	[tilespmem:$0x11100] =	vst v63  }
0x1c: {  	s17 =	sand.u32 $0x7, s3;
	_ =	swait.ge [sflag:s13], $0x8000  }
0x1d: {  	s17 =	sshll.u32 s17, $0x4;
	[sflag:s13] =	ssyncset.done $0x0  }
0x1e: {  	s17 =	sadd.s32 $0x0, s17;
	[sflag:s13] =	ssyncadd.s32 $0xFFFF8000  }
0x1f: {  	s31 =	sand.u32 $0x70, s3;
	s18 =	sand.u32 $0x7C00, s3;
	s17 =	sor.u32 $0x380, s17;
	v4 =	vld [tilespmem:s3+$0x0]  }
0x20: {  	v5 =	vld [tilespmem:s17+$0x1000];
	s17 =	sor.u32 s31, s18  }
0x21: {  	v17 =	vld [tilespmem:s17+$0x1000]  }
0x22: {  	v16 =	vld [tilespmem:s17+$0x1080]  }
0x23: {  	v6 =	vimm.f32 $0.0e+00;
	s19 =	simm.s32 $0x10;
	v13 =	vimm.f32 $0.0e+00;
	v14 =	vimm.f32 $0.0e+00;
	v11 =	vld [tilespmem:s17+$0x1100]  }
0x24: {  	v10 =	vimm.f32 $0.0e+00;
	v8 =	vimm.f32 $0.0e+00;
	s20 =	simm.s32 $0x20;
	s21 =	simm.s32 $0x0;
	v9 =	vimm.f32 $0.0e+00;
	s18 =	simm.s32 $0x1;
	v12 =	vld [tilespmem:s17+$0x1180]  }
0x25: {  	v7 =	vimm.f32 $0.0e+00;
	s22 =	sand.u32 $0x70, s19;
	s19 =	simm.s32 $0x0;
	s23 =	sand.u32 $0x7, s18;
	v15 =	vld [tilespmem:s17+$0x1200];
	v18 =	vmul.f32 v5, v4;
	v5 =	vimm.f32 $0.0e+00  }
.LBB2_2:
0x26: {  	p0 =	sne.s32 s20, $0xFF0;
	s23 =	sshll.u32 s23, $0x4;
	v17 =	vmul.f32 v17, v4;
	v19 =	vld [tilespmem:s17+$0x1280];
	s21 =	sadd.s32 $0x80, s21  }
0x27: {  	s19 =	sadd.s32 $0x10, s19;
	s23 =	sadd.s32 s23, s21;
	s24 =	sand.u32 $0x7C00, s21;
	v16 =	vmul.f32 v16, v4;
	v20 =	vld [tilespmem:s17+$0x1300];
	v6 =	vadd.f32 v18, v6  }
0x28: {  	v18 =	vld [tilespmem:s19+$0x0];
	s17 =	sor.u32 s22, s24;
	s22 =	sor.u32 $0x380, s23;
	v13 =	vadd.f32 v17, v13;
	v11 =	vmul.f32 v11, v4  }
0x29: {  	v21 =	vld [tilespmem:s22+$0x1000];
	v14 =	vadd.f32 v16, v14;
	v12 =	vmul.f32 v12, v4  }
.Ltmp0:
0x2a: {  	v17 =	vld [tilespmem:s17+$0x1000];
	v10 =	vadd.f32 v11, v10;
	v15 =	vmul.f32 v15, v4;
	(pc) =	sbr.rel @p0 .LBB2_2-.Ltmp0, $4  }
0x2b: {  	v16 =	vld [tilespmem:s17+$0x1080];
	v8 =	vadd.f32 v12, v8;
	v19 =	vmul.f32 v19, v4  }
0x2c: {  	v11 =	vld [tilespmem:s17+$0x1100];
	v9 =	vadd.f32 v15, v9;
	v20 =	vmul.f32 v20, v4  }
0x2d: {  	s18 =	sadd.s32 $0x1, s18;
	v12 =	vld [tilespmem:s17+$0x1180];
	v7 =	vadd.f32 v19, v7;
	v4 =	vmov v18  }
0x2e: {  	s23 =	sand.u32 $0x7, s18;
	s22 =	sand.u32 $0x70, s20;
	s20 =	sadd.s32 $0x10, s20;
	v15 =	vld [tilespmem:s17+$0x1200];
	v18 =	vmul.f32 v21, v4;
	v5 =	vadd.f32 v20, v5  }
0x2f: {  	s18 =	sadd.s32 $0x80, s21  }
0x30: {  	s19 =	sadd.s32 $0x10, s19;
	s20 =	sand.u32 $0x7C00, s18  }
0x31: {  	v19 =	vld [tilespmem:s19+$0x0];
	s24 =	sor.u32 s22, s20  }
0x32: {  	v20 =	vld [tilespmem:s24+$0x1000]  }
0x33: {  	v21 =	vld [tilespmem:s24+$0x1080];
	_ =	sdelay $0x1  }
0x34: {  	v17 =	vmul.f32 v17, v4  }
0x35: {  	v16 =	vmul.f32 v16, v4  }
0x36: {  	v13 =	vadd.f32 v17, v13;
	v17 =	vmul.f32 v20, v19  }
0x37: {  	s25 =	sshll.u32 s23, $0x4;
	v14 =	vadd.f32 v16, v14;
	v16 =	vmul.f32 v21, v19  }
0x38: {  	v24 =	vimm.f32 $0.0e+00;
	v25 =	vimm.f32 $0.0e+00;
	s18 =	sadd.s32 s25, s18;
	v13 =	vadd.f32 v17, v13;
	v17 =	vld [tilespmem:s17+$0x1280]  }
0x39: {  	v28 =	vimm.f32 $0.0e+00;
	v27 =	vimm.f32 $0.0e+00;
	s26 =	sor.u32 $0x380, s18;
	v14 =	vadd.f32 v16, v14;
	v16 =	vld [tilespmem:s17+$0x1300]  }
0x3a: {  	v23 =	vimm.f32 $0.0e+00;
	v11 =	vmul.f32 v11, v4;
	v21 =	vld [tilespmem:s26+$0x1000];
	v20 =	vperm.xlane v13, v0  }
0x3b: {  	v6 =	vadd.f32 v18, v6;
	v12 =	vmul.f32 v12, v4;
	v18 =	vld [tilespmem:s24+$0x1100];
	v22 =	vperm.xlane v14, v0  }
0x3c: {  	v10 =	vadd.f32 v11, v10;
	v11 =	vmul.f32 v15, v4;
	v15 =	vld [tilespmem:s24+$0x1180];
	v13 =	vadd.f32 v20, v13  }
0x3d: {  	v8 =	vadd.f32 v12, v8;
	v14 =	vadd.f32 v22, v14;
	v12 =	vmul.f32 v17, v4  }
0x3e: {  	v9 =	vadd.f32 v11, v9;
	v17 =	vld [tilespmem:s24+$0x1200];
	v4 =	vmul.f32 v16, v4;
	v20 =	vperm.xlane v13, v1  }
0x3f: {  	v11 =	vld [tilespmem:s24+$0x1280];
	v16 =	vperm.xlane v14, v1;
	v7 =	vadd.f32 v12, v7;
	v12 =	vmul.f32 v21, v19  }
0x40: {  	v21 =	vld [tilespmem:s24+$0x1300];
	v4 =	vadd.f32 v4, v5;
	v5 =	vmul.f32 v18, v19;
	v13 =	vadd.f32 v20, v13  }
0x41: {  	v14 =	vadd.f32 v16, v14;
	v6 =	vadd.f32 v12, v6;
	v12 =	vmul.f32 v15, v19  }
0x42: {  	v26 =	vimm.f32 $0.0e+00;
	v5 =	vadd.f32 v5, v10;
	v15 =	vperm.xlane v13, v2  }
0x43: {  	s17 =	simm.s32 $0x0;
	v10 =	vmul.f32 v17, v19;
	v16 =	vperm.xlane v14, v2;
	v8 =	vadd.f32 v12, v8  }
0x44: {  	s28 =	sand.u32 $0x7, s17;
	_ =	swait.ge [sflag:s14], $0x8000;
	v12 =	vmul.f32 v11, v19;
	v17 =	vperm.xlane v6, v0;
	v11 =	vadd.f32 v15, v13  }
0x45: {  	s18 =	sshll.u32 s28, $0x4;
	[sflag:s14] =	ssyncset.done $0x0;
	v9 =	vadd.f32 v10, v9;
	v15 =	vmul.f32 v21, v19;
	v10 =	vadd.f32 v16, v14  }
0x46: {  	s18 =	sadd.s32 $0x0, s18;
	[sflag:s14] =	ssyncadd.s32 $0xFFFF8000;
	v14 =	vperm.xlane v5, v0;
	v7 =	vadd.f32 v12, v7;
	v6 =	vadd.f32 v17, v6  }
0x47: {  	s18 =	sor.u32 $0x380, s18;
	v20 =	vld [tilespmem:s17+$0x0];
	v13 =	vperm.xlane v11, v3;
	v4 =	vadd.f32 v15, v4;
	v15 =	vperm.xlane v8, v0  }
0x48: {  	v22 =	vld [tilespmem:s18+$0x9000];
	v5 =	vadd.f32 v14, v5;
	v14 =	vperm.xlane v9, v0;
	v16 =	vperm.xlane v7, v0  }
0x49: {  	v12 =	vperm.xlane v10, v3;
	v8 =	vadd.f32 v15, v8;
	v15 =	vperm.xlane v4, v0  }
0x4a: {  	v18 =	vperm.xlane v5, v1;
	v9 =	vadd.f32 v14, v9;
	v7 =	vadd.f32 v16, v7  }
0x4b: {  	v17 =	vperm.xlane v6, v1;
	v14 =	vperm.xlane v8, v1;
	v4 =	vadd.f32 v15, v4  }
0x4c: {  	v5 =	vadd.f32 v18, v5;
	v15 =	vperm.xlane v9, v1;
	v16 =	vperm.xlane v7, v1  }
0x4d: {  	v34 =	vmul.f32 v22, v20;
	v8 =	vadd.f32 v14, v8;
	v14 =	vperm.xlane v4, v1  }
0x4e: {  	v18 =	vperm.xlane v5, v2;
	v9 =	vadd.f32 v15, v9;
	v7 =	vadd.f32 v16, v7  }
0x4f: {  	s29 =	sand.u32 $0x70, s17;
	s30 =	sand.u32 $0x7C00, s17;
	v17 =	vadd.f32 v17, v6;
	v16 =	vperm.xlane v8, v2;
	v4 =	vadd.f32 v14, v4  }
0x50: {  	s18 =	sor.u32 s29, s30;
	v15 =	vadd.f32 v18, v5;
	v5 =	vperm.xlane v9, v2;
	v6 =	vperm.xlane v7, v2  }
0x51: {  	v31 =	vld [tilespmem:s18+$0x9000];
	v21 =	vperm.xlane v17, v2;
	v16 =	vadd.f32 v16, v8;
	v8 =	vperm.xlane v4, v2  }
0x52: {  	v32 =	vld [tilespmem:s18+$0x9080];
	v18 =	vperm.xlane v15, v3;
	v14 =	vadd.f32 v5, v9;
	v7 =	vadd.f32 v6, v7  }
0x53: {  	v29 =	vld [tilespmem:s18+$0x9100];
	v19 =	vperm.xlane v16, v3;
	v6 =	vadd.f32 v8, v4;
	v4 =	vadd.f32 v21, v17  }
0x54: {  	s31 =	simm.s32 $0x10;
	s21 =	simm.s32 $0x20;
	s19 =	simm.s32 $0x1;
	v30 =	vld [tilespmem:s18+$0x9180];
	v22 =	vimm.f32 $0.0e+00;
	v17 =	vperm.xlane v14, v3;
	v9 =	vperm.xlane v7, v3  }
0x55: {  	s23 =	sand.u32 $0x7, s19;
	s22 =	sand.u32 $0x70, s31;
	s20 =	simm.s32 $0x0;
	v33 =	vld [tilespmem:s18+$0x9200];
	v21 =	vimm.f32 $0.0e+00;
	v8 =	vperm.xlane v6, v3;
	v5 =	vperm.xlane v4, v3  }
.LBB2_4:
0x56: {  	p0 =	sne.s32 s21, $0xFF0;
	s23 =	sshll.u32 s23, $0x4;
	v31 =	vmul.f32 v31, v20;
	v35 =	vld [tilespmem:s18+$0x9280];
	s17 =	sadd.s32 $0x80, s17  }
0x57: {  	s20 =	sadd.s32 $0x10, s20;
	s23 =	sadd.s32 s23, s17;
	s24 =	sand.u32 $0x7C00, s17;
	v32 =	vmul.f32 v32, v20;
	v36 =	vld [tilespmem:s18+$0x9300];
	v24 =	vadd.f32 v34, v24  }
0x58: {  	v34 =	vld [tilespmem:s20+$0x0];
	s18 =	sor.u32 s22, s24;
	s22 =	sor.u32 $0x380, s23;
	v25 =	vadd.f32 v31, v25;
	v29 =	vmul.f32 v29, v20  }
0x59: {  	v37 =	vld [tilespmem:s22+$0x9000];
	v28 =	vadd.f32 v32, v28;
	v30 =	vmul.f32 v30, v20  }
.Ltmp1:
0x5a: {  	v31 =	vld [tilespmem:s18+$0x9000];
	v27 =	vadd.f32 v29, v27;
	v33 =	vmul.f32 v33, v20;
	(pc) =	sbr.rel @p0 .LBB2_4-.Ltmp1, $4  }
0x5b: {  	v32 =	vld [tilespmem:s18+$0x9080];
	v23 =	vadd.f32 v30, v23;
	v35 =	vmul.f32 v35, v20  }
0x5c: {  	v29 =	vld [tilespmem:s18+$0x9100];
	v26 =	vadd.f32 v33, v26;
	v36 =	vmul.f32 v36, v20  }
0x5d: {  	s19 =	sadd.s32 $0x1, s19;
	v30 =	vld [tilespmem:s18+$0x9180];
	v22 =	vadd.f32 v35, v22;
	v20 =	vmov v34  }
0x5e: {  	s23 =	sand.u32 $0x7, s19;
	s22 =	sand.u32 $0x70, s21;
	s21 =	sadd.s32 $0x10, s21;
	v33 =	vld [tilespmem:s18+$0x9200];
	v34 =	vmul.f32 v37, v20;
	v21 =	vadd.f32 v36, v21  }
0x5f: {  	v11 =	vadd.f32 v13, v11  }
0x60: {  	v35 =	vld [tilespmem:s18+$0x9280];
	s17 =	sadd.s32 $0x80, s17;
	v10 =	vadd.f32 v12, v10;
	v15 =	vadd.f32 v18, v15  }
0x61: {  	v36 =	vld [tilespmem:s18+$0x9300];
	s20 =	sadd.s32 $0x10, s20;
	v61 =	vadd.f32 v19, v16;
	v14 =	vadd.f32 v17, v14;
	s31 =	sand.u32 $0x7C00, s17  }
0x62: {  	s19 =	sshll.u32 s23, $0x4;
	v31 =	vmul.f32 v31, v20;
	v7 =	vadd.f32 v9, v7;
	v6 =	vadd.f32 v8, v6;
	v37 =	vld [tilespmem:s20+$0x0];
	s18 =	sor.u32 s22, s31  }
0x63: {  	s17 =	sadd.s32 s19, s17;
	v32 =	vmul.f32 v32, v20;
	v24 =	vadd.f32 v34, v24;
	v29 =	vmul.f32 v29, v20;
	v38 =	vld [tilespmem:s18+$0x9000]  }
0x64: {  	s17 =	sor.u32 $0x380, s17;
	v25 =	vadd.f32 v31, v25;
	v11 =	vnsel vm0, $0x0, v11;
	v10 =	vsel vm1, $0x0, v10;
	v40 =	vld [tilespmem:s18+$0x9080]  }
0x65: {  	v15 =	vsel vm2, $0x0, v15;
	v39 =	vld [tilespmem:s17+$0x9000];
	v28 =	vadd.f32 v32, v28;
	v30 =	vmul.f32 v30, v20  }
0x66: {  	v14 =	vsel vm4, $0x0, v14;
	v42 =	vld [tilespmem:s18+$0x9100];
	v11 =	vadd.f32 $0.0e+00, v11;
	v27 =	vadd.f32 v29, v27  }
0x67: {  	v43 =	vld [tilespmem:s18+$0x9180];
	v44 =	vmul.f32 v33, v20;
	v23 =	vadd.f32 v30, v23;
	v47 =	vmul.f32 v35, v20  }
0x68: {  	v45 =	vld [tilespmem:s18+$0x9200];
	v48 =	vmul.f32 v36, v20;
	v10 =	vadd.f32 v10, v11;
	v46 =	vmul.f32 v38, v37  }
0x69: {  	v49 =	vld [tilespmem:s18+$0x9280];
	v26 =	vadd.f32 v44, v26;
	v22 =	vadd.f32 v47, v22;
	v50 =	vmul.f32 v40, v37  }
0x6a: {  	v52 =	vld [tilespmem:s18+$0x9300];
	v11 =	vsel vm3, $0x0, v61;
	v10 =	vadd.f32 v15, v10;
	v25 =	vadd.f32 v46, v25  }
0x6b: {  	v51 =	vmul.f32 v39, v37;
	v34 =	vmul.f32 v42, v37;
	v28 =	vadd.f32 v50, v28  }
0x6c: {  	v20 =	vadd.f32 v48, v21;
	v54 =	vmul.f32 v43, v37;
	v53 =	vperm.xlane v25, v0  }
0x6d: {  	v55 =	vmul.f32 v45, v37;
	v10 =	vadd.f32 v11, v10;
	v56 =	vperm.xlane v28, v0  }
0x6e: {  	v29 =	vmul.f32 v49, v37;
	v24 =	vadd.f32 v51, v24;
	v25 =	vadd.f32 v53, v25  }
0x6f: {  	v21 =	vmul.f32 v52, v37;
	v27 =	vadd.f32 v34, v27;
	v28 =	vadd.f32 v56, v28  }
0x70: {  	v23 =	vadd.f32 v54, v23;
	v26 =	vadd.f32 v55, v26;
	v57 =	vperm.xlane v25, v1  }
0x71: {  	v22 =	vadd.f32 v29, v22;
	v20 =	vadd.f32 v21, v20;
	v59 =	vperm.xlane v28, v1  }
0x72: {  	v10 =	vadd.f32 v14, v10;
	v63 =	vperm.xlane v27, v0;
	v58 =	vadd.f32 v57, v25  }
0x73: {  	v29 =	vperm.xlane v26, v0;
	v32 =	vperm.xlane v22, v0;
	v13 =	vadd.f32 v59, v28  }
0x74: {  	v25 =	vadd.f32 v63, v27;
	v27 =	vperm.xlane v23, v0;
	v60 =	vperm.xlane v58, v2  }
0x75: {  	v36 =	vperm.xlane v20, v0;
	v39 =	vperm.xlane v24, v0;
	v31 =	vadd.f32 v29, v26  }
0x76: {  	v62 =	vperm.xlane v13, v2;
	v15 =	vadd.f32 v27, v23;
	v12 =	vadd.f32 v60, v58  }
0x77: {  	v35 =	vadd.f32 v32, v22;
	v17 =	vadd.f32 v36, v20;
	v28 =	vperm.xlane v25, v1  }
0x78: {  	v13 =	vadd.f32 v62, v13;
	v30 =	vperm.xlane v15, v1;
	v21 =	vperm.xlane v12, v3  }
0x79: {  	v19 =	vadd.f32 v39, v24;
	v34 =	vperm.xlane v31, v1;
	v11 =	vadd.f32 v28, v25  }
0x7a: {  	v16 =	vperm.xlane v13, v3;
	v14 =	vadd.f32 v30, v15;
	v12 =	vadd.f32 v21, v12  }
0x7b: {  	v38 =	vperm.xlane v35, v1;
	v33 =	vperm.xlane v11, v2;
	v15 =	vadd.f32 v34, v31  }
0x7c: {  	v13 =	vadd.f32 v16, v13;
	v37 =	vperm.xlane v14, v2;
	v12 =	vsel vm8, $0x0, v12  }
0x7d: {  	v42 =	vperm.xlane v17, v1;
	v11 =	vadd.f32 v33, v11;
	v12 =	vadd.f32 $0.0e+00, v12  }
0x7e: {  	v41 =	vperm.xlane v15, v2;
	v13 =	vsel vm9, $0x0, v13;
	v14 =	vadd.f32 v37, v14  }
0x7f: {  	v40 =	vperm.xlane v11, v3;
	v12 =	vadd.f32 v13, v12;
	v13 =	vadd.f32 v38, v35  }
0x80: {  	v45 =	vperm.xlane v19, v1;
	v16 =	vadd.f32 v42, v17;
	v15 =	vadd.f32 v41, v15  }
0x81: {  	v11 =	vadd.f32 v40, v11;
	v43 =	vperm.xlane v14, v3;
	v44 =	vperm.xlane v13, v2  }
0x82: {  	v17 =	vadd.f32 v45, v19;
	v47 =	vperm.xlane v16, v2;
	v46 =	vperm.xlane v15, v3  }
0x83: {  	v11 =	vsel vm10, $0x0, v11;
	v14 =	vadd.f32 v43, v14;
	v13 =	vadd.f32 v44, v13  }
0x84: {  	v51 =	vperm.xlane v17, v2;
	v16 =	vadd.f32 v47, v16;
	v11 =	vadd.f32 v11, v12  }
0x85: {  	v49 =	vadd.f32 v46, v15;
	v48 =	vsel vm11, $0x0, v14;
	v50 =	vperm.xlane v13, v3  }
0x86: {  	v56 =	vadd.f32 v51, v17;
	v52 =	vadd.f32 v48, v11  }
0x87: {  	v55 =	vperm.xlane v16, v3;
	v53 =	vsel vm12, $0x0, v49;
	v54 =	vadd.f32 v50, v13  }
0x88: {  	v4 =	vadd.f32 v5, v4;
	v7 =	vsel vm5, $0x0, v7;
	v57 =	vadd.f32 v53, v52  }
0x89: {  	v60 =	vperm.xlane v56, v3;
	v59 =	vadd.f32 v55, v16;
	v58 =	vsel vm13, $0x0, v54  }
0x8a: {  	v7 =	vadd.f32 v7, v10;
	v8 =	vadd.f32 v58, v57  }
0x8b: {  	v6 =	vsel vm6, $0x0, v6;
	v61 =	vadd.f32 v60, v56;
	v5 =	vsel vm14, $0x0, v59  }
0x8c: {  	v6 =	vadd.f32 v6, v7;
	v5 =	vadd.f32 v5, v8  }
0x8d: {  	v4 =	vsel vm7, $0x0, v4;
	v63 =	vld [tilespmem:$0x11080];
	v62 =	vsel vm15, $0x0, v61  }
0x8e: {  	v4 =	vadd.f32 v4, v6;
	v5 =	vadd.f32 v62, v5;
	_ =	sdelay $0x1  }
0x8f: {  	v4 =	vadd.f32 v5, v4;
	_ =	sdelay $0x1  }
0x90: {  	s16 =	sadd.s32 $0x1, s16;
	v4 =	vadd.f32 v4, v63  }
0x91: {  	p0 =	sne.s32 s16, s8  }
.Ltmp2:
0x92: {  	[tilespmem:$0x11000] =	vst v4;
	(pc) =	sbr.rel @p0 .LBB2_1-.Ltmp2, $4  }
0x93: {  	[hbm4b:s7+s3] =	stream.linear.scatter [tilespmem:s15], [sflag:$0x3], $0x10, $0x38;
	[tilespmem:$0x11100] =	vst v63  }
0x94: {  	_ =	swait.ge [sflag:s9], $0x10  }
0x95: {  	[sflag:s9] =	ssyncset.done $0x0  }
0x96: {  	[sflag:s9] =	ssyncadd.s32 $0xFFFFFFF0  }
0x97: {  	_ =	sfence.sel $0x180000  }
0x98: {  	[bflag:$0x0] =	sbarrier.arrive $0xFFFF  }
0x99: {  	p0 =	sne.s32 s2, $0x0;
	_ =	strace $0x90000047  }
0x9a: {  	s0 =	sadd.s32 @!p0 $0x100000, s1;
	[bflag:$0x2] =	sbarrier.arrive $0xFFFF  }
0x9b: {  	[sflag:s0] =	ssyncadd.tile.s32 @!p0 $0x1;
	_ =	shalt  }
.Lfunc_end2:
_tile_overlayer_lowered:
.L_overlay_start_2:
0x9c: {  	(tag) =	ssettag $0x2  }
0x9d: {  	s0 =	rddreg [dreg:$0x0];
	s2 =	stileid.u32  }
0x9e: {  	s1 =	rddreg [dreg:$0x1];
	p0 =	sne.s32 s2, $0x0  }
0x9f: {  	s3 =	rddreg [dreg:$0x2];
	[bflag:$0x3] =	sbarrier.arrive $0xFFFF;
	s2 =	simm.s32 @!p0 $0x1C03  }
0xa0: {  	[timem:s3], [sflag:s2] =	dma.local @!p0 [hbm:s0], s1  }
0xa1: {  	s0 =	simm.s32 @!p0 $0x3  }
0xa2: {  	_ =	swait.ge @!p0 [sflag:s0], s1  }
0xa3: {  	s1 =	ssub.s32 @!p0 $0x0, s1;
	[sflag:s0] =	ssyncset.done @!p0 $0x0  }
0xa4: {  	[sflag:s0] =	ssyncadd.s32 @!p0 s1  }
0xa5: {  	[bflag:$0x3] =	sbarrier.arrive $0xFFFF  }
0xa6: {  	_ =	shalt  }

</sc_bundles>
